<compile_context>
chip_gen: v7x
topology: tpu7x:2x2x1
jax: 0.10.2.dev20260603
libtpu: 0.0.44.dev20260713+nightly
codegen_flags: <defaults>
</compile_context>

<pallas_src>
import functools

import jax
import jax.numpy as jnp
from jax import lax
from jax.experimental import pallas as pl
from jax.experimental.pallas import tpu as pltpu
from jax.experimental.pallas import tpu_sc as plsc

C = 9
H = 260
W = 346
NB = 4
IMG = 640
WH = W * H
WHC = WH * C
SLAB = 2 * WHC
NVOX = SLAB * NB
NEW_H = 480
TOP = (IMG - NEW_H) // 2
N = 2_000_000

CH1 = N // 128
G1 = 1
CH2 = 16_000
G2 = N // CH2
CHS = 10_000
NCH = N // CHS
UNITS = C * NCH
TPT = (UNITS + 15) // 16 + 1
NZCH = -(-SLAB // CHS)
ZREM = SLAB - (NZCH - 1) * CHS
ZTRIP = -(-NZCH // 16)


def _stats_body(t_ref, b_ref, out_ref):
    @pl.when(pl.program_id(0) == 0)
    def _():
        out_ref[...] = jnp.concatenate(
            [jnp.full((4, 128), -1.0, jnp.float32),
             jnp.zeros((4, 128), jnp.float32)], axis=0)

    t = t_ref[0]
    b = b_ref[0]
    for k in range(NB):
        mk = b == float(k)
        out_ref[k:k + 1, :] = jnp.maximum(
            out_ref[k:k + 1, :],
            jnp.max(jnp.where(mk, t, -1.0), axis=0, keepdims=True))
        out_ref[4 + k:5 + k, :] = out_ref[4 + k:5 + k, :] + jnp.sum(
            jnp.where(mk, 1.0, 0.0), axis=0, keepdims=True)


_stats_call = pl.pallas_call(
    _stats_body,
    grid=(G1,),
    in_specs=[
        pl.BlockSpec((1, CH1, 128), lambda i: (2, i, 0)),
        pl.BlockSpec((1, CH1, 128), lambda i: (4, i, 0)),
    ],
    out_specs=pl.BlockSpec((8, 128), lambda i: (0, 0)),
    out_shape=jax.ShapeDtypeStruct((8, 128), jnp.float32),
)


def _mlp_body(ev_ref, tmax_ref, b3_ref, w1_ref, b1_ref, w2_ref, b2_ref,
              w3_ref, vals_ref, lidx_ref):
    x = ev_ref[0:1, :]
    y = ev_ref[1:2, :]
    t = ev_ref[2:3, :]
    p = ev_ref[3:4, :]
    b = ev_ref[4:5, :]
    b_i = b.astype(jnp.int32)
    tm = jnp.where(b_i == 0, tmax_ref[0],
                   jnp.where(b_i == 1, tmax_ref[1],
                             jnp.where(b_i == 2, tmax_ref[2], tmax_ref[3])))
    tn = t / tm
    ib = x + float(W) * y
    ib = ib + float(WHC) * p
    ib = ib + float(SLAB) * b
    w1 = w1_ref[...]
    b1 = b1_ref[...]
    w2 = w2_ref[...]
    b2 = b2_ref[...]
    w3 = w3_ref[...]
    b3 = b3_ref[0]
    for i in range(C):
        s = tn - (i / (C - 1))
        h = w1 * s + b1
        h = jnp.where(h >= 0, h, 0.1 * h)
        h = lax.dot_general(w2.astype(jnp.bfloat16),
                            h.astype(jnp.bfloat16),
                            (((1,), (0,)), ((), ())),
                            preferred_element_type=jnp.float32,
                            precision=lax.Precision.DEFAULT)
        h = h + b2
        h = jnp.where(h >= 0, h, 0.1 * h)
        v = jnp.sum(w3 * h, axis=0, keepdims=True) + b3
        vals_ref[i:i + 1, :] = tn * v
        gf = ib + float(WH * i)
        gi = jnp.clip(gf.astype(jnp.int32), 0, NVOX - 1)
        li = gi - SLAB * b_i
        lidx_ref[i:i + 1, :] = jnp.clip(li, 0, SLAB - 1)


_mlp_call = pl.pallas_call(
    _mlp_body,
    grid=(G2,),
    in_specs=[
        pl.BlockSpec((5, CH2), lambda i: (0, i)),
        pl.BlockSpec(memory_space=pltpu.MemorySpace.SMEM),
        pl.BlockSpec(memory_space=pltpu.MemorySpace.SMEM),
        pl.BlockSpec((32, 1), lambda i: (0, 0)),
        pl.BlockSpec((32, 1), lambda i: (0, 0)),
        pl.BlockSpec((32, 32), lambda i: (0, 0)),
        pl.BlockSpec((32, 1), lambda i: (0, 0)),
        pl.BlockSpec((32, 1), lambda i: (0, 0)),
    ],
    out_specs=[
        pl.BlockSpec((C, CH2), lambda i: (0, i)),
        pl.BlockSpec((C, CH2), lambda i: (0, i)),
    ],
    out_shape=[
        jax.ShapeDtypeStruct((C, N), jnp.float32),
        jax.ShapeDtypeStruct((C, N), jnp.int32),
    ],
)


_mesh = plsc.VectorSubcoreMesh(core_axis_name="c", subcore_axis_name="s")


@functools.partial(
    pl.kernel,
    out_type=jax.ShapeDtypeStruct((NVOX,), jnp.float32),
    mesh=_mesh,
    scratch_types=[
        pltpu.VMEM((CHS,), jnp.int32),
        pltpu.VMEM((CHS,), jnp.float32),
        pltpu.VMEM((16,), jnp.int32),
        pltpu.VMEM_SHARED((SLAB,), jnp.float32),
        pltpu.SemaphoreType.DMA,
    ],
)
def _sc_scatter(lidx_hbm, vals_hbm, offs_hbm, out_hbm,
                idx_v, val_v, offs_v, vox_sh, semv):
    cc = lax.axis_index("c")
    ss = lax.axis_index("s")
    pltpu.sync_copy(offs_hbm, offs_v)
    offv = offs_v[...]
    zv = jnp.zeros((16,), jnp.float32)
    for r in range(2):
        k = 2 * r + cc
        c_is0 = cc == 0
        off_lo = jnp.where(c_is0, offv[2 * r], offv[2 * r + 1])
        off_hi = jnp.where(c_is0, offv[2 * r + 1], offv[2 * r + 2])

        def zfill(m, c2):
            val_v[pl.ds(m * 16, 16)] = zv
            return c2

        lax.fori_loop(0, CHS // 16, zfill, 0)

        def zero_body(i, c2):
            cid = ss + 16 * i

            @pl.when(cid < NZCH - 1)
            def _():
                pltpu.sync_copy(val_v, vox_sh.at[pl.ds(cid * CHS, CHS)])

            @pl.when(cid == NZCH - 1)
            def _():
                pltpu.sync_copy(val_v.at[pl.ds(0, ZREM)],
                                vox_sh.at[pl.ds((NZCH - 1) * CHS, ZREM)])

            return c2

        lax.fori_loop(0, ZTRIP, zero_body, 0)
        plsc.subcore_barrier()

        def unit_body(i, carry):
            g = ss + 16 * i
            rr = g // NCH
            j = g - rr * NCH
            a0 = j * CHS
            valid = (rr <= C - 1) & (off_lo < a0 + CHS) & (off_hi > a0)

            @pl.when(valid)
            def _():
                base = rr * N + a0
                dv = pltpu.async_copy(vals_hbm.at[pl.ds(base, CHS)], val_v,
                                      semv)
                pltpu.sync_copy(lidx_hbm.at[pl.ds(base, CHS)], idx_v)
                dv.wait()
                full = (off_lo <= a0) & (off_hi >= a0 + CHS)

                @pl.when(jnp.logical_not(full))
                def _():
                    lane2 = lax.broadcasted_iota(jnp.int32, (16,), 0)

                    def fix_m(m, c2):
                        pos = a0 + m * 16 + lane2
                        msk = (pos >= off_lo) & (pos < off_hi)
                        vv = val_v[pl.ds(m * 16, 16)]
                        val_v[pl.ds(m * 16, 16)] = jnp.where(msk, vv, 0.0)
                        return c2

                    lax.fori_loop(0, CHS // 16, fix_m, 0)

                pltpu.sync_copy(val_v, vox_sh.at[idx_v], add=True)

            return carry

        lax.fori_loop(0, TPT, unit_body, 0)
        plsc.subcore_barrier()

        out_base = k * SLAB

        def wout_body(i, c2):
            cid = ss + 16 * i

            @pl.when(cid < NZCH - 1)
            def _():
                pltpu.sync_copy(vox_sh.at[pl.ds(cid * CHS, CHS)], val_v)
                pltpu.sync_copy(val_v,
                                out_hbm.at[pl.ds(out_base + cid * CHS, CHS)])

            @pl.when(cid == NZCH - 1)
            def _():
                pltpu.sync_copy(vox_sh.at[pl.ds((NZCH - 1) * CHS, ZREM)],
                                val_v.at[pl.ds(0, ZREM)])
                pltpu.sync_copy(
                    val_v.at[pl.ds(0, ZREM)],
                    out_hbm.at[pl.ds(out_base + (NZCH - 1) * CHS, ZREM)])

            return c2

        lax.fori_loop(0, ZTRIP, wout_body, 0)
        plsc.subcore_barrier()


def _resize_body(vox_ref, r_ref, c_ref, out_ref):
    v = vox_ref[0]
    tmp = lax.dot_general(r_ref[...], v, (((1,), (0,)), ((), ())),
                          preferred_element_type=jnp.float32,
                          precision=lax.Precision.DEFAULT)
    res = lax.dot_general(tmp, c_ref[...], (((1,), (0,)), ((), ())),
                          preferred_element_type=jnp.float32,
                          precision=lax.Precision.DEFAULT)
    pad = jnp.full((TOP, IMG), 114.0, jnp.float32)
    out_ref[0] = jnp.concatenate([pad, res, pad], axis=0)


_resize_call = pl.pallas_call(
    _resize_body,
    grid=(NB * 2 * C,),
    in_specs=[
        pl.BlockSpec((1, H, W), lambda i: (i, 0, 0)),
        pl.BlockSpec((NEW_H, H), lambda i: (0, 0)),
        pl.BlockSpec((W, IMG), lambda i: (0, 0)),
    ],
    out_specs=pl.BlockSpec((1, IMG, IMG), lambda i: (i, 0, 0)),
    out_shape=jax.ShapeDtypeStruct((NB * 2 * C, IMG, IMG), jnp.float32),
)


def kernel(events, W1, b1, W2, b2, W3, b3):
    evT = events.T
    evT3 = evT.reshape(5, N // 128, 128)

    stats = _stats_call(evT3, evT3)
    tm4 = jnp.max(stats[0:4, :], axis=1)
    counts = jnp.sum(stats[4:8, :], axis=1).astype(jnp.int32)
    offs = jnp.concatenate(
        [jnp.zeros((1,), jnp.int32), jnp.cumsum(counts)])
    offs_b = jnp.pad(offs, (0, 11)).astype(jnp.int32)

    vals9, lidx9 = _mlp_call(evT, tm4, b3, W1, b1.reshape(32, 1), W2,
                             b2.reshape(32, 1), W3.reshape(32, 1))

    lidx_f = lidx9.reshape(C * N)
    vals_f = vals9.reshape(C * N)
    vox = _sc_scatter(lidx_f, vals_f, offs_b)

    vox4 = vox.reshape(NB * 2 * C, H, W)
    rmat = jax.image.resize(jnp.eye(H, dtype=jnp.float32), (NEW_H, H),
                            method="bilinear")
    cmat = jax.image.resize(jnp.eye(W, dtype=jnp.float32), (W, IMG),
                            method="bilinear")
    out = _resize_call(vox4, rmat, cmat)
    return out.reshape(NB, 2 * C, IMG, IMG)

# --- scband reference (transcript-rebuilt; emitter-appended) ---
"""Pipeline reference for scband-quantization-layer-10350871184036 (READ-ONLY COPY).

The authoritative reference and input builder live on the scoring server;
editing this copy changes nothing except your own understanding.
"""

import jax, jax.numpy as jnp
import numpy as np

C, H, W = 9, 260, 346
IMAGE_SIZE = 640
N = 2000000
B = 4


def _linear_params(key, fin, fout):
    lim = 1.0 / np.sqrt(fin)
    kw, kb = jax.random.split(key)
    Wm = jax.random.uniform(kw, (fout, fin), minval=-lim, maxval=lim, dtype=jnp.float32)
    bv = jax.random.uniform(kb, (fout,), minval=-lim, maxval=lim, dtype=jnp.float32)
    return Wm, bv


def setup_inputs(seed: int = 0) -> dict:
    key = jax.random.key(seed)
    ks = jax.random.split(key, 8)
    x = jax.random.uniform(ks[0], (N,), dtype=jnp.float32) * (W - 1)
    y = jax.random.uniform(ks[1], (N,), dtype=jnp.float32) * (H - 1)
    t = jax.random.uniform(ks[2], (N,), minval=1e-3, maxval=1.0, dtype=jnp.float32)
    p = jax.random.randint(ks[3], (N,), 0, 2).astype(jnp.float32)
    b = jnp.sort(jax.random.randint(ks[4], (N,), 0, B)).astype(jnp.float32)
    b = b.at[-1].set(float(B - 1))
    events = jnp.stack([x, y, t, p, b], axis=1)
    W1, b1 = _linear_params(ks[5], 1, 32)
    W2, b2 = _linear_params(ks[6], 32, 32)
    W3, b3 = _linear_params(ks[7], 32, 1)
    return {"events": events, "W1": W1, "b1": b1, "W2": W2, "b2": b2, "W3": W3, "b3": b3}


def _value_layer(ts, W1, b1, W2, b2, W3, b3):
    # ValueLayer: MLP [1,32,32,1], LeakyReLU(0.1) on all but last layer
    h = ts[:, None]
    h = jax.nn.leaky_relu(h @ W1.T + b1, negative_slope=0.1)
    h = jax.nn.leaky_relu(h @ W2.T + b2, negative_slope=0.1)
    h = h @ W3.T + b3
    return h[:, 0]


def reference(events, W1, b1, W2, b2, W3, b3):
    Bn = B
    x = events[:, 0]
    y = events[:, 1]
    t = events[:, 2]
    p = events[:, 3]
    b = events[:, 4]
    b_int = b.astype(jnp.int32)
    # per-batch normalization of timestamps: t /= max(t | batch)
    tmax = jax.ops.segment_max(t, b_int, num_segments=Bn)
    t = t / tmax[b_int]
    num_voxels = 2 * C * H * W * Bn
    idx_before_bins = x + W * y + W * H * C * p + W * H * C * 2 * b
    vox = jnp.zeros((num_voxels,), dtype=jnp.float32)
    for i_bin in range(C):
        values = t * _value_layer(t - i_bin / (C - 1), W1, b1, W2, b2, W3, b3)
        idx = jnp.clip((idx_before_bins + W * H * i_bin).astype(jnp.int32), 0, num_voxels - 1)
        vox = vox.at[idx].add(values)
    vox = vox.reshape(Bn, 2, C, H, W)
    vox = jnp.concatenate([vox[:, 0], vox[:, 1]], axis=1)
    # letterbox resize to IMAGE_SIZE with pad value 114
    scale = min(IMAGE_SIZE / W, IMAGE_SIZE / H)
    new_w = int(W * scale)
    new_h = int(H * scale)
    resized = jax.image.resize(vox, (Bn, 2 * C, new_h, new_w), method='bilinear')
    top = (IMAGE_SIZE - new_h) // 2
    left = (IMAGE_SIZE - new_w) // 2
    out = jnp.pad(resized, ((0, 0), (0, 0), (top, IMAGE_SIZE - new_h - top), (left, IMAGE_SIZE - new_w - left)), constant_values=114.0)
    return out.astype(jnp.float32)

if __name__ == "__main__":
    import jax
    _d = setup_inputs()
    print(jax.jit(kernel)(*tuple(_d.values())))

</pallas_src>

<mosaic_0001>
#map = affine_map<(d0, d1) -> (0)>
module attributes {stable_mosaic.version = 14 : i64} {
  func.func @_sc_scatter(%arg0: i32, %arg1: i32, %arg2: memref<18000000xi32, #tpu.memory_space<hbm>>, %arg3: memref<18000000xf32, #tpu.memory_space<hbm>>, %arg4: memref<16xi32, #tpu.memory_space<hbm>>, %arg5: memref<6477120xf32, #tpu.memory_space<hbm>>, %arg6: memref<10000xi32, #tpu.memory_space<vmem>>, %arg7: memref<10000xf32, #tpu.memory_space<vmem>>, %arg8: memref<16xi32, #tpu.memory_space<vmem>>, %arg9: memref<1619280xf32, #tpu.memory_space<vmem_shared>>, %arg10: memref<!tpu.dma_semaphore, #tpu.memory_space<semaphore_mem>>) attributes {dimension_semantics = [#tpu.dimension_semantics<core_parallel>, #tpu.dimension_semantics<subcore_parallel>], iteration_bounds = array<i64: 2, 16>, scalar_prefetch = 0 : i64, scratch_operands = 5 : i64, tpu.core_type = #tpu.core_type<sc_vector_subcore>, window_params = [{transform_indices = #map}, {transform_indices = #map}, {transform_indices = #map}, {transform_indices = #map}]} {
    "tpu.region"() ({
      %run_scoped3A = tpu.sem_alloc : memref<!tpu.dma_semaphore, #tpu.memory_space<semaphore_mem>>
      tpu.enqueue_dma source(%arg4 : memref<16xi32, #tpu.memory_space<hbm>>) target(%arg8 : memref<16xi32, #tpu.memory_space<vmem>>) target_semaphore(%run_scoped3A : memref<!tpu.dma_semaphore, #tpu.memory_space<semaphore_mem>>)
      tpu.wait_dma2 semaphore(%run_scoped3A : memref<!tpu.dma_semaphore, #tpu.memory_space<semaphore_mem>>) src(%arg4 : memref<16xi32, #tpu.memory_space<hbm>>) dst(%arg8 : memref<16xi32, #tpu.memory_space<vmem>>)
      tpu.yield
    }) : () -> ()
    %get3A = arith.constant 0 : index
    %get3A_0 = tpu.vector_load %arg8[%get3A] {strides = array<i32>} : memref<16xi32, #tpu.memory_space<vmem>>, vector<16xi32>,
    %get3A_1 = vector.shape_cast %get3A_0 : vector<16xi32> to vector<16xi32>
    %broadcast_in_dim3A = arith.constant 0.000000e+00 : f32
    %broadcast_in_dim3A_2 = vector.broadcast %broadcast_in_dim3A : f32 to vector<16xf32>
    %add3A = arith.constant 0 : i32
    %add3A_3 = arith.addi %add3A, %arg0 : i32
    %eq3A = arith.constant 0 : i32
    %eq3A_4 = arith.cmpi eq, %arg0, %eq3A : i32
    %slice3A = vector.extract_strided_slice %get3A_1 {offsets = [0], sizes = [1], strides = [1]} : vector<16xi32> to vector<1xi32>
    %squeeze3A = vector.extract %slice3A[0] : i32 from vector<1xi32>
    %slice3A_5 = vector.extract_strided_slice %get3A_1 {offsets = [1], sizes = [1], strides = [1]} : vector<16xi32> to vector<1xi32>
    %squeeze3A_6 = vector.extract %slice3A_5[0] : i32 from vector<1xi32>
    %select_n3A = arith.select %eq3A_4, %squeeze3A, %squeeze3A_6 : i32
    %slice3A_7 = vector.extract_strided_slice %get3A_1 {offsets = [1], sizes = [1], strides = [1]} : vector<16xi32> to vector<1xi32>
    %squeeze3A_8 = vector.extract %slice3A_7[0] : i32 from vector<1xi32>
    %slice3A_9 = vector.extract_strided_slice %get3A_1 {offsets = [2], sizes = [1], strides = [1]} : vector<16xi32> to vector<1xi32>
    %squeeze3A_10 = vector.extract %slice3A_9[0] : i32 from vector<1xi32>
    %select_n3A_11 = arith.select %eq3A_4, %squeeze3A_8, %squeeze3A_10 : i32
    %scan3A = arith.constant 0 : i32
    %scan3A_12 = arith.constant 0 : i32
    %scan3A_13 = arith.constant 625 : i32
    %scan3A_14 = arith.addi %scan3A_12, %scan3A_13 : i32
    %scan3A_15 = arith.constant 1 : i32
    scf.for %scan3A_81 = %scan3A_12 to %scan3A_14 step %scan3A_15  : i32 {
      %mul3A_82 = arith.constant 16 : i32
      %mul3A_83 = arith.muli %scan3A_81, %mul3A_82 : i32
      %swap3A = arith.index_cast %mul3A_83 : i32 to index
      %swap3A_84 = tpu.vector_load %arg7[%swap3A] {strides = array<i32>} : memref<10000xf32, #tpu.memory_space<vmem>>, vector<16xf32>,
      %swap3A_85 = vector.shape_cast %swap3A_84 : vector<16xf32> to vector<16xf32>
      %swap3A_86 = vector.shape_cast %broadcast_in_dim3A_2 : vector<16xf32> to vector<16xf32>
      tpu.vector_store %arg7[%swap3A], %swap3A_86 {strides = array<i32>} : memref<10000xf32, #tpu.memory_space<vmem>>, vector<16xf32>,
    }
    %scan3A_16 = arith.constant 625 : i32
    %scan3A_17 = arith.constant 0 : i32
    %scan3A_18 = arith.constant 0 : i32
    %scan3A_19 = arith.constant 11 : i32
    %scan3A_20 = arith.addi %scan3A_18, %scan3A_19 : i32
    %scan3A_21 = arith.constant 1 : i32
    scf.for %scan3A_81 = %scan3A_18 to %scan3A_20 step %scan3A_21  : i32 {
      %mul3A_82 = arith.constant 16 : i32
      %mul3A_83 = arith.muli %mul3A_82, %scan3A_81 : i32
      %add3A_84 = arith.addi %arg1, %mul3A_83 : i32
      %lt3A = arith.constant 161 : i32
      %lt3A_85 = arith.cmpi slt, %add3A_84, %lt3A : i32
      %convert_element_type3A = arith.extui %lt3A_85 : i1 to i32
      %cond3A = arith.constant 0 : i32
      %cond3A_86 = arith.cmpi ne, %convert_element_type3A, %cond3A : i32
      scf.if %cond3A_86 {
        %mul3A_92 = arith.constant 10000 : i32
        %mul3A_93 = arith.muli %add3A_84, %mul3A_92 : i32
        "tpu.region"() ({
          %run_scoped3A = tpu.sem_alloc : memref<!tpu.dma_semaphore, #tpu.memory_space<semaphore_mem>>
          %dma_start3A = tpu.memref_slice %arg9[%mul3A_93] : memref<1619280xf32, #tpu.memory_space<vmem_shared>> -> memref<10000xf32, #tpu.memory_space<vmem_shared>>
          %dma_start3A_94 = tpu.memref_slice %arg9[%mul3A_93] : memref<1619280xf32, #tpu.memory_space<vmem_shared>> -> memref<10000xf32, #tpu.memory_space<vmem_shared>>
          tpu.enqueue_dma source(%arg7 : memref<10000xf32, #tpu.memory_space<vmem>>) target(%dma_start3A_94 : memref<10000xf32, #tpu.memory_space<vmem_shared>>) target_semaphore(%run_scoped3A : memref<!tpu.dma_semaphore, #tpu.memory_space<semaphore_mem>>)
          %dma_wait3A = tpu.memref_slice %arg9[%mul3A_93] : memref<1619280xf32, #tpu.memory_space<vmem_shared>> -> memref<10000xf32, #tpu.memory_space<vmem_shared>>
          %dma_wait3A_95 = tpu.memref_slice %arg9[%mul3A_93] : memref<1619280xf32, #tpu.memory_space<vmem_shared>> -> memref<10000xf32, #tpu.memory_space<vmem_shared>>
          tpu.wait_dma2 semaphore(%run_scoped3A : memref<!tpu.dma_semaphore, #tpu.memory_space<semaphore_mem>>) src(%arg7 : memref<10000xf32, #tpu.memory_space<vmem>>) dst(%dma_wait3A_95 : memref<10000xf32, #tpu.memory_space<vmem_shared>>)
          tpu.yield
        }) : () -> ()
      } else {
      }
      %eq3A_87 = arith.constant 161 : i32
      %eq3A_88 = arith.cmpi eq, %add3A_84, %eq3A_87 : i32
      %convert_element_type3A_89 = arith.extui %eq3A_88 : i1 to i32
      %cond3A_90 = arith.constant 0 : i32
      %cond3A_91 = arith.cmpi ne, %convert_element_type3A_89, %cond3A_90 : i32
      scf.if %cond3A_91 {
        "tpu.region"() ({
          %run_scoped3A = tpu.sem_alloc : memref<!tpu.dma_semaphore, #tpu.memory_space<semaphore_mem>>
          %dma_start3A = arith.constant 0 : i32
          %dma_start3A_92 = tpu.memref_slice %arg7[%dma_start3A] : memref<10000xf32, #tpu.memory_space<vmem>> -> memref<9280xf32, #tpu.memory_space<vmem>>
          %dma_start3A_93 = arith.constant 1610000 : i32
          %dma_start3A_94 = tpu.memref_slice %arg9[%dma_start3A_93] : memref<1619280xf32, #tpu.memory_space<vmem_shared>> -> memref<9280xf32, #tpu.memory_space<vmem_shared>>
          %dma_start3A_95 = arith.constant 1610000 : i32
          %dma_start3A_96 = tpu.memref_slice %arg9[%dma_start3A_95] : memref<1619280xf32, #tpu.memory_space<vmem_shared>> -> memref<9280xf32, #tpu.memory_space<vmem_shared>>
          %dma_start3A_97 = arith.constant 0 : i32
          %dma_start3A_98 = tpu.memref_slice %arg7[%dma_start3A_97] : memref<10000xf32, #tpu.memory_space<vmem>> -> memref<9280xf32, #tpu.memory_space<vmem>>
          tpu.enqueue_dma source(%dma_start3A_98 : memref<9280xf32, #tpu.memory_space<vmem>>) target(%dma_start3A_96 : memref<9280xf32, #tpu.memory_space<vmem_shared>>) target_semaphore(%run_scoped3A : memref<!tpu.dma_semaphore, #tpu.memory_space<semaphore_mem>>)
          %dma_wait3A = arith.constant 0 : i32
          %dma_wait3A_99 = tpu.memref_slice %arg7[%dma_wait3A] : memref<10000xf32, #tpu.memory_space<vmem>> -> memref<9280xf32, #tpu.memory_space<vmem>>
          %dma_wait3A_100 = arith.constant 1610000 : i32
          %dma_wait3A_101 = tpu.memref_slice %arg9[%dma_wait3A_100] : memref<1619280xf32, #tpu.memory_space<vmem_shared>> -> memref<9280xf32, #tpu.memory_space<vmem_shared>>
          %dma_wait3A_102 = arith.constant 1610000 : i32
          %dma_wait3A_103 = tpu.memref_slice %arg9[%dma_wait3A_102] : memref<1619280xf32, #tpu.memory_space<vmem_shared>> -> memref<9280xf32, #tpu.memory_space<vmem_shared>>
          %dma_wait3A_104 = arith.constant 0 : i32
          %dma_wait3A_105 = tpu.memref_slice %arg7[%dma_wait3A_104] : memref<10000xf32, #tpu.memory_space<vmem>> -> memref<9280xf32, #tpu.memory_space<vmem>>
          tpu.wait_dma2 semaphore(%run_scoped3A : memref<!tpu.dma_semaphore, #tpu.memory_space<semaphore_mem>>) src(%dma_wait3A_105 : memref<9280xf32, #tpu.memory_space<vmem>>) dst(%dma_wait3A_103 : memref<9280xf32, #tpu.memory_space<vmem_shared>>)
          tpu.yield
        }) : () -> ()
      } else {
      }
    }
    %scan3A_22 = arith.constant 11 : i32
    %barrier3A = arith.constant 0 : index
    tpu.barrier barrier_id(%barrier3A)
    %scan3A_23 = arith.constant 0 : i32
    %scan3A_24 = arith.constant 0 : i32
    %scan3A_25 = arith.constant 114 : i32
    %scan3A_26 = arith.addi %scan3A_24, %scan3A_25 : i32
    %scan3A_27 = arith.constant 1 : i32
    scf.for %scan3A_81 = %scan3A_24 to %scan3A_26 step %scan3A_27  : i32 {
      %mul3A_82 = arith.constant 16 : i32
      %mul3A_83 = arith.muli %mul3A_82, %scan3A_81 : i32
      %add3A_84 = arith.addi %arg1, %mul3A_83 : i32
      %jit3A = arith.constant 200 : i32
      %div3A = arith.divsi %add3A_84, %jit3A : i32
      %sign3A = arith.constant 0 : i32
      %sign3A_85 = arith.cmpi sgt, %add3A_84, %sign3A : i32
      %sign3A_86 = arith.extui %sign3A_85 : i1 to i32
      %sign3A_87 = arith.constant 0 : i32
      %sign3A_88 = arith.cmpi slt, %add3A_84, %sign3A_87 : i32
      %sign3A_89 = arith.extui %sign3A_88 : i1 to i32
      %sign3A_90 = arith.subi %sign3A_86, %sign3A_89 : i32
      %sign3A_91 = arith.constant 0 : i32
      %sign3A_92 = arith.cmpi sgt, %jit3A, %sign3A_91 : i32
      %sign3A_93 = arith.extui %sign3A_92 : i1 to i32
      %sign3A_94 = arith.constant 0 : i32
      %sign3A_95 = arith.cmpi slt, %jit3A, %sign3A_94 : i32
      %sign3A_96 = arith.extui %sign3A_95 : i1 to i32
      %sign3A_97 = arith.subi %sign3A_93, %sign3A_96 : i32
      %ne3A = arith.cmpi ne, %sign3A_90, %sign3A_97 : i32
      %rem3A = arith.remsi %add3A_84, %jit3A : i32
      %ne3A_98 = arith.constant 0 : i32
      %ne3A_99 = arith.cmpi ne, %rem3A, %ne3A_98 : i32
      %and3A = arith.andi %ne3A, %ne3A_99 : i1
      %sub3A = arith.constant 1 : i32
      %sub3A_100 = arith.subi %div3A, %sub3A : i32
      %select_n3A_101 = arith.select %and3A, %sub3A_100, %div3A : i32
      %mul3A_102 = arith.constant 200 : i32
      %mul3A_103 = arith.muli %select_n3A_101, %mul3A_102 : i32
      %sub3A_104 = arith.subi %add3A_84, %mul3A_103 : i32
      %mul3A_105 = arith.constant 10000 : i32
      %mul3A_106 = arith.muli %sub3A_104, %mul3A_105 : i32
      %le3A = arith.constant 8 : i32
      %le3A_107 = arith.cmpi sle, %select_n3A_101, %le3A : i32
      %add3A_108 = arith.constant 10000 : i32
      %add3A_109 = arith.addi %mul3A_106, %add3A_108 : i32
      %lt3A = arith.cmpi slt, %select_n3A, %add3A_109 : i32
      %and3A_110 = arith.andi %le3A_107, %lt3A : i1
      %gt3A = arith.cmpi sgt, %select_n3A_11, %mul3A_106 : i32
      %and3A_111 = arith.andi %and3A_110, %gt3A : i1
      %convert_element_type3A = arith.extui %and3A_111 : i1 to i32
      %cond3A = arith.constant 0 : i32
      %cond3A_112 = arith.cmpi ne, %convert_element_type3A, %cond3A : i32
      scf.if %cond3A_112 {
        %mul3A_113 = arith.constant 2000000 : i32
        %mul3A_114 = arith.muli %select_n3A_101, %mul3A_113 : i32
        %add3A_115 = arith.addi %mul3A_114, %mul3A_106 : i32
        %dma_start3A = tpu.memref_slice %arg3[%add3A_115] : memref<18000000xf32, #tpu.memory_space<hbm>> -> memref<10000xf32, #tpu.memory_space<hbm>>
        %dma_start3A_116 = tpu.memref_slice %arg3[%add3A_115] : memref<18000000xf32, #tpu.memory_space<hbm>> -> memref<10000xf32, #tpu.memory_space<hbm>>
        tpu.enqueue_dma source(%dma_start3A_116 : memref<10000xf32, #tpu.memory_space<hbm>>) target(%arg7 : memref<10000xf32, #tpu.memory_space<vmem>>) target_semaphore(%arg10 : memref<!tpu.dma_semaphore, #tpu.memory_space<semaphore_mem>>)
        "tpu.region"() ({
          %run_scoped3A = tpu.sem_alloc : memref<!tpu.dma_semaphore, #tpu.memory_space<semaphore_mem>>
          %dma_start3A_126 = tpu.memref_slice %arg2[%add3A_115] : memref<18000000xi32, #tpu.memory_space<hbm>> -> memref<10000xi32, #tpu.memory_space<hbm>>
          %dma_start3A_127 = tpu.memref_slice %arg2[%add3A_115] : memref<18000000xi32, #tpu.memory_space<hbm>> -> memref<10000xi32, #tpu.memory_space<hbm>>
          tpu.enqueue_dma source(%dma_start3A_127 : memref<10000xi32, #tpu.memory_space<hbm>>) target(%arg6 : memref<10000xi32, #tpu.memory_space<vmem>>) target_semaphore(%run_scoped3A : memref<!tpu.dma_semaphore, #tpu.memory_space<semaphore_mem>>)
          %dma_wait3A_128 = tpu.memref_slice %arg2[%add3A_115] : memref<18000000xi32, #tpu.memory_space<hbm>> -> memref<10000xi32, #tpu.memory_space<hbm>>
          %dma_wait3A_129 = tpu.memref_slice %arg2[%add3A_115] : memref<18000000xi32, #tpu.memory_space<hbm>> -> memref<10000xi32, #tpu.memory_space<hbm>>
          tpu.wait_dma2 semaphore(%run_scoped3A : memref<!tpu.dma_semaphore, #tpu.memory_space<semaphore_mem>>) src(%dma_wait3A_129 : memref<10000xi32, #tpu.memory_space<hbm>>) dst(%arg6 : memref<10000xi32, #tpu.memory_space<vmem>>)
          tpu.yield
        }) : () -> ()
        %dma_wait3A = tpu.memref_slice %arg3[%add3A_115] : memref<18000000xf32, #tpu.memory_space<hbm>> -> memref<10000xf32, #tpu.memory_space<hbm>>
        %dma_wait3A_117 = tpu.memref_slice %arg3[%add3A_115] : memref<18000000xf32, #tpu.memory_space<hbm>> -> memref<10000xf32, #tpu.memory_space<hbm>>
        tpu.wait_dma2 semaphore(%arg10 : memref<!tpu.dma_semaphore, #tpu.memory_space<semaphore_mem>>) src(%dma_wait3A_117 : memref<10000xf32, #tpu.memory_space<hbm>>) dst(%arg7 : memref<10000xf32, #tpu.memory_space<vmem>>)
        %le3A_118 = arith.cmpi sle, %select_n3A, %mul3A_106 : i32
        %add3A_119 = arith.constant 10000 : i32
        %add3A_120 = arith.addi %mul3A_106, %add3A_119 : i32
        %ge3A = arith.cmpi sge, %select_n3A_11, %add3A_120 : i32
        %and3A_121 = arith.andi %le3A_118, %ge3A : i1
        %not3A = arith.constant true
        %not3A_122 = arith.xori %and3A_121, %not3A : i1
        %convert_element_type3A_123 = arith.extui %not3A_122 : i1 to i32
        %cond3A_124 = arith.constant 0 : i32
        %cond3A_125 = arith.cmpi ne, %convert_element_type3A_123, %cond3A_124 : i32
        scf.if %cond3A_125 {
          %iota3A = tpu.iota {dimensions = array<i32: 0>} : vector<16xi32>
          %scan3A_126 = arith.constant 0 : i32
          %scan3A_127 = arith.constant 0 : i32
          %scan3A_128 = arith.constant 625 : i32
          %scan3A_129 = arith.addi %scan3A_127, %scan3A_128 : i32
          %scan3A_130 = arith.constant 1 : i32
          scf.for %scan3A_132 = %scan3A_127 to %scan3A_129 step %scan3A_130  : i32 {
            %mul3A_133 = arith.constant 16 : i32
            %mul3A_134 = arith.muli %scan3A_132, %mul3A_133 : i32
            %add3A_135 = arith.addi %mul3A_106, %mul3A_134 : i32
            %add3A_136 = vector.broadcast %add3A_135 : i32 to vector<16xi32>
            %add3A_137 = arith.addi %add3A_136, %iota3A : vector<16xi32>
            %ge3A_138 = vector.broadcast %select_n3A : i32 to vector<16xi32>
            %ge3A_139 = arith.cmpi sge, %add3A_137, %ge3A_138 : vector<16xi32>
            %lt3A_140 = vector.broadcast %select_n3A_11 : i32 to vector<16xi32>
            %lt3A_141 = arith.cmpi slt, %add3A_137, %lt3A_140 : vector<16xi32>
            %and3A_142 = arith.andi %ge3A_139, %lt3A_141 : vector<16xi1>
            %mul3A_143 = arith.constant 16 : i32
            %mul3A_144 = arith.muli %scan3A_132, %mul3A_143 : i32
            %get3A_145 = arith.index_cast %mul3A_144 : i32 to index
            %get3A_146 = tpu.vector_load %arg7[%get3A_145] {strides = array<i32>} : memref<10000xf32, #tpu.memory_space<vmem>>, vector<16xf32>,
            %get3A_147 = vector.shape_cast %get3A_146 : vector<16xf32> to vector<16xf32>
            %jit3A_148 = arith.constant 0.000000e+00 : f32
            %broadcast_in_dim3A_149 = vector.broadcast %jit3A_148 : f32 to vector<16xf32>
            %select_n3A_150 = arith.select %and3A_142, %get3A_147, %broadcast_in_dim3A_149 : vector<16xi1>, vector<16xf32>
            %mul3A_151 = arith.constant 16 : i32
            %mul3A_152 = arith.muli %scan3A_132, %mul3A_151 : i32
            %swap3A = arith.index_cast %mul3A_152 : i32 to index
            %swap3A_153 = tpu.vector_load %arg7[%swap3A] {strides = array<i32>} : memref<10000xf32, #tpu.memory_space<vmem>>, vector<16xf32>,
            %swap3A_154 = vector.shape_cast %swap3A_153 : vector<16xf32> to vector<16xf32>
            %swap3A_155 = vector.shape_cast %select_n3A_150 : vector<16xf32> to vector<16xf32>
            tpu.vector_store %arg7[%swap3A], %swap3A_155 {strides = array<i32>} : memref<10000xf32, #tpu.memory_space<vmem>>, vector<16xf32>,
          }
          %scan3A_131 = arith.constant 625 : i32
        } else {
        }
        "tpu.region"() ({
          %run_scoped3A = tpu.sem_alloc : memref<!tpu.dma_semaphore, #tpu.memory_space<semaphore_mem>>
          %dma_start3A_126 = arith.constant 0 : i32
          %dma_start3A_127 = tpu.memref_slice %arg9[%dma_start3A_126] : memref<1619280xf32, #tpu.memory_space<vmem_shared>> -> memref<1619280xf32, #tpu.memory_space<vmem_shared>>
          tpu.enqueue_indirect_dma source(%arg7 : memref<10000xf32, #tpu.memory_space<vmem>>) target(%dma_start3A_127 : memref<1619280xf32, #tpu.memory_space<vmem_shared>>) offsets(%arg6 : memref<10000xi32, #tpu.memory_space<vmem>>) semaphore(%run_scoped3A : memref<!tpu.dma_semaphore, #tpu.memory_space<semaphore_mem>>) {add = true}
          %dma_wait3A_128 = arith.constant 0 : i32
          %dma_wait3A_129 = tpu.memref_slice %arg9[%dma_wait3A_128] : memref<1619280xf32, #tpu.memory_space<vmem_shared>> -> memref<1619280xf32, #tpu.memory_space<vmem_shared>>
          tpu.wait_indirect_dma semaphore(%run_scoped3A : memref<!tpu.dma_semaphore, #tpu.memory_space<semaphore_mem>>) src(%arg7 : memref<10000xf32, #tpu.memory_space<vmem>>) dst(%dma_wait3A_129 : memref<1619280xf32, #tpu.memory_space<vmem_shared>>)
          tpu.yield
        }) : () -> ()
      } else {
      }
    }
    %scan3A_28 = arith.constant 114 : i32
    %barrier3A_29 = arith.constant 0 : index
    tpu.barrier barrier_id(%barrier3A_29)
    %mul3A = arith.constant 1619280 : i32
    %mul3A_30 = arith.muli %add3A_3, %mul3A : i32
    %scan3A_31 = arith.constant 0 : i32
    %scan3A_32 = arith.constant 0 : i32
    %scan3A_33 = arith.constant 11 : i32
    %scan3A_34 = arith.addi %scan3A_32, %scan3A_33 : i32
    %scan3A_35 = arith.constant 1 : i32
    scf.for %scan3A_81 = %scan3A_32 to %scan3A_34 step %scan3A_35  : i32 {
      %mul3A_82 = arith.constant 16 : i32
      %mul3A_83 = arith.muli %mul3A_82, %scan3A_81 : i32
      %add3A_84 = arith.addi %arg1, %mul3A_83 : i32
      %lt3A = arith.constant 161 : i32
      %lt3A_85 = arith.cmpi slt, %add3A_84, %lt3A : i32
      %convert_element_type3A = arith.extui %lt3A_85 : i1 to i32
      %cond3A = arith.constant 0 : i32
      %cond3A_86 = arith.cmpi ne, %convert_element_type3A, %cond3A : i32
      scf.if %cond3A_86 {
        %mul3A_92 = arith.constant 10000 : i32
        %mul3A_93 = arith.muli %add3A_84, %mul3A_92 : i32
        "tpu.region"() ({
          %run_scoped3A = tpu.sem_alloc : memref<!tpu.dma_semaphore, #tpu.memory_space<semaphore_mem>>
          %dma_start3A = tpu.memref_slice %arg9[%mul3A_93] : memref<1619280xf32, #tpu.memory_space<vmem_shared>> -> memref<10000xf32, #tpu.memory_space<vmem_shared>>
          %dma_start3A_97 = tpu.memref_slice %arg9[%mul3A_93] : memref<1619280xf32, #tpu.memory_space<vmem_shared>> -> memref<10000xf32, #tpu.memory_space<vmem_shared>>
          tpu.enqueue_dma source(%dma_start3A_97 : memref<10000xf32, #tpu.memory_space<vmem_shared>>) target(%arg7 : memref<10000xf32, #tpu.memory_space<vmem>>) target_semaphore(%run_scoped3A : memref<!tpu.dma_semaphore, #tpu.memory_space<semaphore_mem>>)
          %dma_wait3A = tpu.memref_slice %arg9[%mul3A_93] : memref<1619280xf32, #tpu.memory_space<vmem_shared>> -> memref<10000xf32, #tpu.memory_space<vmem_shared>>
          %dma_wait3A_98 = tpu.memref_slice %arg9[%mul3A_93] : memref<1619280xf32, #tpu.memory_space<vmem_shared>> -> memref<10000xf32, #tpu.memory_space<vmem_shared>>
          tpu.wait_dma2 semaphore(%run_scoped3A : memref<!tpu.dma_semaphore, #tpu.memory_space<semaphore_mem>>) src(%dma_wait3A_98 : memref<10000xf32, #tpu.memory_space<vmem_shared>>) dst(%arg7 : memref<10000xf32, #tpu.memory_space<vmem>>)
          tpu.yield
        }) : () -> ()
        %mul3A_94 = arith.constant 10000 : i32
        %mul3A_95 = arith.muli %add3A_84, %mul3A_94 : i32
        %add3A_96 = arith.addi %mul3A_30, %mul3A_95 : i32
        "tpu.region"() ({
          %run_scoped3A = tpu.sem_alloc : memref<!tpu.dma_semaphore, #tpu.memory_space<semaphore_mem>>
          %dma_start3A = tpu.memref_slice %arg5[%add3A_96] : memref<6477120xf32, #tpu.memory_space<hbm>> -> memref<10000xf32, #tpu.memory_space<hbm>>
          %dma_start3A_97 = tpu.memref_slice %arg5[%add3A_96] : memref<6477120xf32, #tpu.memory_space<hbm>> -> memref<10000xf32, #tpu.memory_space<hbm>>
          tpu.enqueue_dma source(%arg7 : memref<10000xf32, #tpu.memory_space<vmem>>) target(%dma_start3A_97 : memref<10000xf32, #tpu.memory_space<hbm>>) target_semaphore(%run_scoped3A : memref<!tpu.dma_semaphore, #tpu.memory_space<semaphore_mem>>)
          %dma_wait3A = tpu.memref_slice %arg5[%add3A_96] : memref<6477120xf32, #tpu.memory_space<hbm>> -> memref<10000xf32, #tpu.memory_space<hbm>>
          %dma_wait3A_98 = tpu.memref_slice %arg5[%add3A_96] : memref<6477120xf32, #tpu.memory_space<hbm>> -> memref<10000xf32, #tpu.memory_space<hbm>>
          tpu.wait_dma2 semaphore(%run_scoped3A : memref<!tpu.dma_semaphore, #tpu.memory_space<semaphore_mem>>) src(%arg7 : memref<10000xf32, #tpu.memory_space<vmem>>) dst(%dma_wait3A_98 : memref<10000xf32, #tpu.memory_space<hbm>>)
          tpu.yield
        }) : () -> ()
      } else {
      }
      %eq3A_87 = arith.constant 161 : i32
      %eq3A_88 = arith.cmpi eq, %add3A_84, %eq3A_87 : i32
      %convert_element_type3A_89 = arith.extui %eq3A_88 : i1 to i32
      %cond3A_90 = arith.constant 0 : i32
      %cond3A_91 = arith.cmpi ne, %convert_element_type3A_89, %cond3A_90 : i32
      scf.if %cond3A_91 {
        "tpu.region"() ({
          %run_scoped3A = tpu.sem_alloc : memref<!tpu.dma_semaphore, #tpu.memory_space<semaphore_mem>>
          %dma_start3A = arith.constant 0 : i32
          %dma_start3A_94 = tpu.memref_slice %arg7[%dma_start3A] : memref<10000xf32, #tpu.memory_space<vmem>> -> memref<9280xf32, #tpu.memory_space<vmem>>
          %dma_start3A_95 = arith.constant 1610000 : i32
          %dma_start3A_96 = tpu.memref_slice %arg9[%dma_start3A_95] : memref<1619280xf32, #tpu.memory_space<vmem_shared>> -> memref<9280xf32, #tpu.memory_space<vmem_shared>>
          %dma_start3A_97 = arith.constant 0 : i32
          %dma_start3A_98 = tpu.memref_slice %arg7[%dma_start3A_97] : memref<10000xf32, #tpu.memory_space<vmem>> -> memref<9280xf32, #tpu.memory_space<vmem>>
          %dma_start3A_99 = arith.constant 1610000 : i32
          %dma_start3A_100 = tpu.memref_slice %arg9[%dma_start3A_99] : memref<1619280xf32, #tpu.memory_space<vmem_shared>> -> memref<9280xf32, #tpu.memory_space<vmem_shared>>
          tpu.enqueue_dma source(%dma_start3A_100 : memref<9280xf32, #tpu.memory_space<vmem_shared>>) target(%dma_start3A_98 : memref<9280xf32, #tpu.memory_space<vmem>>) target_semaphore(%run_scoped3A : memref<!tpu.dma_semaphore, #tpu.memory_space<semaphore_mem>>)
          %dma_wait3A = arith.constant 0 : i32
          %dma_wait3A_101 = tpu.memref_slice %arg7[%dma_wait3A] : memref<10000xf32, #tpu.memory_space<vmem>> -> memref<9280xf32, #tpu.memory_space<vmem>>
          %dma_wait3A_102 = arith.constant 1610000 : i32
          %dma_wait3A_103 = tpu.memref_slice %arg9[%dma_wait3A_102] : memref<1619280xf32, #tpu.memory_space<vmem_shared>> -> memref<9280xf32, #tpu.memory_space<vmem_shared>>
          %dma_wait3A_104 = arith.constant 0 : i32
          %dma_wait3A_105 = tpu.memref_slice %arg7[%dma_wait3A_104] : memref<10000xf32, #tpu.memory_space<vmem>> -> memref<9280xf32, #tpu.memory_space<vmem>>
          %dma_wait3A_106 = arith.constant 1610000 : i32
          %dma_wait3A_107 = tpu.memref_slice %arg9[%dma_wait3A_106] : memref<1619280xf32, #tpu.memory_space<vmem_shared>> -> memref<9280xf32, #tpu.memory_space<vmem_shared>>
          tpu.wait_dma2 semaphore(%run_scoped3A : memref<!tpu.dma_semaphore, #tpu.memory_space<semaphore_mem>>) src(%dma_wait3A_107 : memref<9280xf32, #tpu.memory_space<vmem_shared>>) dst(%dma_wait3A_105 : memref<9280xf32, #tpu.memory_space<vmem>>)
          tpu.yield
        }) : () -> ()
        %add3A_92 = arith.constant 1610000 : i32
        %add3A_93 = arith.addi %mul3A_30, %add3A_92 : i32
        "tpu.region"() ({
          %run_scoped3A = tpu.sem_alloc : memref<!tpu.dma_semaphore, #tpu.memory_space<semaphore_mem>>
          %dma_start3A = arith.constant 0 : i32
          %dma_start3A_94 = tpu.memref_slice %arg7[%dma_start3A] : memref<10000xf32, #tpu.memory_space<vmem>> -> memref<9280xf32, #tpu.memory_space<vmem>>
          %dma_start3A_95 = tpu.memref_slice %arg5[%add3A_93] : memref<6477120xf32, #tpu.memory_space<hbm>> -> memref<9280xf32, #tpu.memory_space<hbm>>
          %dma_start3A_96 = tpu.memref_slice %arg5[%add3A_93] : memref<6477120xf32, #tpu.memory_space<hbm>> -> memref<9280xf32, #tpu.memory_space<hbm>>
          %dma_start3A_97 = arith.constant 0 : i32
          %dma_start3A_98 = tpu.memref_slice %arg7[%dma_start3A_97] : memref<10000xf32, #tpu.memory_space<vmem>> -> memref<9280xf32, #tpu.memory_space<vmem>>
          tpu.enqueue_dma source(%dma_start3A_98 : memref<9280xf32, #tpu.memory_space<vmem>>) target(%dma_start3A_96 : memref<9280xf32, #tpu.memory_space<hbm>>) target_semaphore(%run_scoped3A : memref<!tpu.dma_semaphore, #tpu.memory_space<semaphore_mem>>)
          %dma_wait3A = arith.constant 0 : i32
          %dma_wait3A_99 = tpu.memref_slice %arg7[%dma_wait3A] : memref<10000xf32, #tpu.memory_space<vmem>> -> memref<9280xf32, #tpu.memory_space<vmem>>
          %dma_wait3A_100 = tpu.memref_slice %arg5[%add3A_93] : memref<6477120xf32, #tpu.memory_space<hbm>> -> memref<9280xf32, #tpu.memory_space<hbm>>
          %dma_wait3A_101 = tpu.memref_slice %arg5[%add3A_93] : memref<6477120xf32, #tpu.memory_space<hbm>> -> memref<9280xf32, #tpu.memory_space<hbm>>
          %dma_wait3A_102 = arith.constant 0 : i32
          %dma_wait3A_103 = tpu.memref_slice %arg7[%dma_wait3A_102] : memref<10000xf32, #tpu.memory_space<vmem>> -> memref<9280xf32, #tpu.memory_space<vmem>>
          tpu.wait_dma2 semaphore(%run_scoped3A : memref<!tpu.dma_semaphore, #tpu.memory_space<semaphore_mem>>) src(%dma_wait3A_103 : memref<9280xf32, #tpu.memory_space<vmem>>) dst(%dma_wait3A_101 : memref<9280xf32, #tpu.memory_space<hbm>>)
          tpu.yield
        }) : () -> ()
      } else {
      }
    }
    %scan3A_36 = arith.constant 11 : i32
    %barrier3A_37 = arith.constant 0 : index
    tpu.barrier barrier_id(%barrier3A_37)
    %add3A_38 = arith.constant 2 : i32
    %add3A_39 = arith.addi %add3A_38, %arg0 : i32
    %eq3A_40 = arith.constant 0 : i32
    %eq3A_41 = arith.cmpi eq, %arg0, %eq3A_40 : i32
    %slice3A_42 = vector.extract_strided_slice %get3A_1 {offsets = [2], sizes = [1], strides = [1]} : vector<16xi32> to vector<1xi32>
    %squeeze3A_43 = vector.extract %slice3A_42[0] : i32 from vector<1xi32>
    %slice3A_44 = vector.extract_strided_slice %get3A_1 {offsets = [3], sizes = [1], strides = [1]} : vector<16xi32> to vector<1xi32>
    %squeeze3A_45 = vector.extract %slice3A_44[0] : i32 from vector<1xi32>
    %select_n3A_46 = arith.select %eq3A_41, %squeeze3A_43, %squeeze3A_45 : i32
    %slice3A_47 = vector.extract_strided_slice %get3A_1 {offsets = [3], sizes = [1], strides = [1]} : vector<16xi32> to vector<1xi32>
    %squeeze3A_48 = vector.extract %slice3A_47[0] : i32 from vector<1xi32>
    %slice3A_49 = vector.extract_strided_slice %get3A_1 {offsets = [4], sizes = [1], strides = [1]} : vector<16xi32> to vector<1xi32>
    %squeeze3A_50 = vector.extract %slice3A_49[0] : i32 from vector<1xi32>
    %select_n3A_51 = arith.select %eq3A_41, %squeeze3A_48, %squeeze3A_50 : i32
    %scan3A_52 = arith.constant 0 : i32
    %scan3A_53 = arith.constant 0 : i32
    %scan3A_54 = arith.constant 625 : i32
    %scan3A_55 = arith.addi %scan3A_53, %scan3A_54 : i32
    %scan3A_56 = arith.constant 1 : i32
    scf.for %scan3A_81 = %scan3A_53 to %scan3A_55 step %scan3A_56  : i32 {
      %mul3A_82 = arith.constant 16 : i32
      %mul3A_83 = arith.muli %scan3A_81, %mul3A_82 : i32
      %swap3A = arith.index_cast %mul3A_83 : i32 to index
      %swap3A_84 = tpu.vector_load %arg7[%swap3A] {strides = array<i32>} : memref<10000xf32, #tpu.memory_space<vmem>>, vector<16xf32>,
      %swap3A_85 = vector.shape_cast %swap3A_84 : vector<16xf32> to vector<16xf32>
      %swap3A_86 = vector.shape_cast %broadcast_in_dim3A_2 : vector<16xf32> to vector<16xf32>
      tpu.vector_store %arg7[%swap3A], %swap3A_86 {strides = array<i32>} : memref<10000xf32, #tpu.memory_space<vmem>>, vector<16xf32>,
    }
    %scan3A_57 = arith.constant 625 : i32
    %scan3A_58 = arith.constant 0 : i32
    %scan3A_59 = arith.constant 0 : i32
    %scan3A_60 = arith.constant 11 : i32
    %scan3A_61 = arith.addi %scan3A_59, %scan3A_60 : i32
    %scan3A_62 = arith.constant 1 : i32
    scf.for %scan3A_81 = %scan3A_59 to %scan3A_61 step %scan3A_62  : i32 {
      %mul3A_82 = arith.constant 16 : i32
      %mul3A_83 = arith.muli %mul3A_82, %scan3A_81 : i32
      %add3A_84 = arith.addi %arg1, %mul3A_83 : i32
      %lt3A = arith.constant 161 : i32
      %lt3A_85 = arith.cmpi slt, %add3A_84, %lt3A : i32
      %convert_element_type3A = arith.extui %lt3A_85 : i1 to i32
      %cond3A = arith.constant 0 : i32
      %cond3A_86 = arith.cmpi ne, %convert_element_type3A, %cond3A : i32
      scf.if %cond3A_86 {
        %mul3A_92 = arith.constant 10000 : i32
        %mul3A_93 = arith.muli %add3A_84, %mul3A_92 : i32
        "tpu.region"() ({
          %run_scoped3A = tpu.sem_alloc : memref<!tpu.dma_semaphore, #tpu.memory_space<semaphore_mem>>
          %dma_start3A = tpu.memref_slice %arg9[%mul3A_93] : memref<1619280xf32, #tpu.memory_space<vmem_shared>> -> memref<10000xf32, #tpu.memory_space<vmem_shared>>
          %dma_start3A_94 = tpu.memref_slice %arg9[%mul3A_93] : memref<1619280xf32, #tpu.memory_space<vmem_shared>> -> memref<10000xf32, #tpu.memory_space<vmem_shared>>
          tpu.enqueue_dma source(%arg7 : memref<10000xf32, #tpu.memory_space<vmem>>) target(%dma_start3A_94 : memref<10000xf32, #tpu.memory_space<vmem_shared>>) target_semaphore(%run_scoped3A : memref<!tpu.dma_semaphore, #tpu.memory_space<semaphore_mem>>)
          %dma_wait3A = tpu.memref_slice %arg9[%mul3A_93] : memref<1619280xf32, #tpu.memory_space<vmem_shared>> -> memref<10000xf32, #tpu.memory_space<vmem_shared>>
          %dma_wait3A_95 = tpu.memref_slice %arg9[%mul3A_93] : memref<1619280xf32, #tpu.memory_space<vmem_shared>> -> memref<10000xf32, #tpu.memory_space<vmem_shared>>
          tpu.wait_dma2 semaphore(%run_scoped3A : memref<!tpu.dma_semaphore, #tpu.memory_space<semaphore_mem>>) src(%arg7 : memref<10000xf32, #tpu.memory_space<vmem>>) dst(%dma_wait3A_95 : memref<10000xf32, #tpu.memory_space<vmem_shared>>)
          tpu.yield
        }) : () -> ()
      } else {
      }
      %eq3A_87 = arith.constant 161 : i32
      %eq3A_88 = arith.cmpi eq, %add3A_84, %eq3A_87 : i32
      %convert_element_type3A_89 = arith.extui %eq3A_88 : i1 to i32
      %cond3A_90 = arith.constant 0 : i32
      %cond3A_91 = arith.cmpi ne, %convert_element_type3A_89, %cond3A_90 : i32
      scf.if %cond3A_91 {
        "tpu.region"() ({
          %run_scoped3A = tpu.sem_alloc : memref<!tpu.dma_semaphore, #tpu.memory_space<semaphore_mem>>
          %dma_start3A = arith.constant 0 : i32
          %dma_start3A_92 = tpu.memref_slice %arg7[%dma_start3A] : memref<10000xf32, #tpu.memory_space<vmem>> -> memref<9280xf32, #tpu.memory_space<vmem>>
          %dma_start3A_93 = arith.constant 1610000 : i32
          %dma_start3A_94 = tpu.memref_slice %arg9[%dma_start3A_93] : memref<1619280xf32, #tpu.memory_space<vmem_shared>> -> memref<9280xf32, #tpu.memory_space<vmem_shared>>
          %dma_start3A_95 = arith.constant 1610000 : i32
          %dma_start3A_96 = tpu.memref_slice %arg9[%dma_start3A_95] : memref<1619280xf32, #tpu.memory_space<vmem_shared>> -> memref<9280xf32, #tpu.memory_space<vmem_shared>>
          %dma_start3A_97 = arith.constant 0 : i32
          %dma_start3A_98 = tpu.memref_slice %arg7[%dma_start3A_97] : memref<10000xf32, #tpu.memory_space<vmem>> -> memref<9280xf32, #tpu.memory_space<vmem>>
          tpu.enqueue_dma source(%dma_start3A_98 : memref<9280xf32, #tpu.memory_space<vmem>>) target(%dma_start3A_96 : memref<9280xf32, #tpu.memory_space<vmem_shared>>) target_semaphore(%run_scoped3A : memref<!tpu.dma_semaphore, #tpu.memory_space<semaphore_mem>>)
          %dma_wait3A = arith.constant 0 : i32
          %dma_wait3A_99 = tpu.memref_slice %arg7[%dma_wait3A] : memref<10000xf32, #tpu.memory_space<vmem>> -> memref<9280xf32, #tpu.memory_space<vmem>>
          %dma_wait3A_100 = arith.constant 1610000 : i32
          %dma_wait3A_101 = tpu.memref_slice %arg9[%dma_wait3A_100] : memref<1619280xf32, #tpu.memory_space<vmem_shared>> -> memref<9280xf32, #tpu.memory_space<vmem_shared>>
          %dma_wait3A_102 = arith.constant 1610000 : i32
          %dma_wait3A_103 = tpu.memref_slice %arg9[%dma_wait3A_102] : memref<1619280xf32, #tpu.memory_space<vmem_shared>> -> memref<9280xf32, #tpu.memory_space<vmem_shared>>
          %dma_wait3A_104 = arith.constant 0 : i32
          %dma_wait3A_105 = tpu.memref_slice %arg7[%dma_wait3A_104] : memref<10000xf32, #tpu.memory_space<vmem>> -> memref<9280xf32, #tpu.memory_space<vmem>>
          tpu.wait_dma2 semaphore(%run_scoped3A : memref<!tpu.dma_semaphore, #tpu.memory_space<semaphore_mem>>) src(%dma_wait3A_105 : memref<9280xf32, #tpu.memory_space<vmem>>) dst(%dma_wait3A_103 : memref<9280xf32, #tpu.memory_space<vmem_shared>>)
          tpu.yield
        }) : () -> ()
      } else {
      }
    }
    %scan3A_63 = arith.constant 11 : i32
    %barrier3A_64 = arith.constant 0 : index
    tpu.barrier barrier_id(%barrier3A_64)
    %scan3A_65 = arith.constant 0 : i32
    %scan3A_66 = arith.constant 0 : i32
    %scan3A_67 = arith.constant 114 : i32
    %scan3A_68 = arith.addi %scan3A_66, %scan3A_67 : i32
    %scan3A_69 = arith.constant 1 : i32
    scf.for %scan3A_81 = %scan3A_66 to %scan3A_68 step %scan3A_69  : i32 {
      %mul3A_82 = arith.constant 16 : i32
      %mul3A_83 = arith.muli %mul3A_82, %scan3A_81 : i32
      %add3A_84 = arith.addi %arg1, %mul3A_83 : i32
      %jit3A = arith.constant 200 : i32
      %div3A = arith.divsi %add3A_84, %jit3A : i32
      %sign3A = arith.constant 0 : i32
      %sign3A_85 = arith.cmpi sgt, %add3A_84, %sign3A : i32
      %sign3A_86 = arith.extui %sign3A_85 : i1 to i32
      %sign3A_87 = arith.constant 0 : i32
      %sign3A_88 = arith.cmpi slt, %add3A_84, %sign3A_87 : i32
      %sign3A_89 = arith.extui %sign3A_88 : i1 to i32
      %sign3A_90 = arith.subi %sign3A_86, %sign3A_89 : i32
      %sign3A_91 = arith.constant 0 : i32
      %sign3A_92 = arith.cmpi sgt, %jit3A, %sign3A_91 : i32
      %sign3A_93 = arith.extui %sign3A_92 : i1 to i32
      %sign3A_94 = arith.constant 0 : i32
      %sign3A_95 = arith.cmpi slt, %jit3A, %sign3A_94 : i32
      %sign3A_96 = arith.extui %sign3A_95 : i1 to i32
      %sign3A_97 = arith.subi %sign3A_93, %sign3A_96 : i32
      %ne3A = arith.cmpi ne, %sign3A_90, %sign3A_97 : i32
      %rem3A = arith.remsi %add3A_84, %jit3A : i32
      %ne3A_98 = arith.constant 0 : i32
      %ne3A_99 = arith.cmpi ne, %rem3A, %ne3A_98 : i32
      %and3A = arith.andi %ne3A, %ne3A_99 : i1
      %sub3A = arith.constant 1 : i32
      %sub3A_100 = arith.subi %div3A, %sub3A : i32
      %select_n3A_101 = arith.select %and3A, %sub3A_100, %div3A : i32
      %mul3A_102 = arith.constant 200 : i32
      %mul3A_103 = arith.muli %select_n3A_101, %mul3A_102 : i32
      %sub3A_104 = arith.subi %add3A_84, %mul3A_103 : i32
      %mul3A_105 = arith.constant 10000 : i32
      %mul3A_106 = arith.muli %sub3A_104, %mul3A_105 : i32
      %le3A = arith.constant 8 : i32
      %le3A_107 = arith.cmpi sle, %select_n3A_101, %le3A : i32
      %add3A_108 = arith.constant 10000 : i32
      %add3A_109 = arith.addi %mul3A_106, %add3A_108 : i32
      %lt3A = arith.cmpi slt, %select_n3A_46, %add3A_109 : i32
      %and3A_110 = arith.andi %le3A_107, %lt3A : i1
      %gt3A = arith.cmpi sgt, %select_n3A_51, %mul3A_106 : i32
      %and3A_111 = arith.andi %and3A_110, %gt3A : i1
      %convert_element_type3A = arith.extui %and3A_111 : i1 to i32
      %cond3A = arith.constant 0 : i32
      %cond3A_112 = arith.cmpi ne, %convert_element_type3A, %cond3A : i32
      scf.if %cond3A_112 {
        %mul3A_113 = arith.constant 2000000 : i32
        %mul3A_114 = arith.muli %select_n3A_101, %mul3A_113 : i32
        %add3A_115 = arith.addi %mul3A_114, %mul3A_106 : i32
        %dma_start3A = tpu.memref_slice %arg3[%add3A_115] : memref<18000000xf32, #tpu.memory_space<hbm>> -> memref<10000xf32, #tpu.memory_space<hbm>>
        %dma_start3A_116 = tpu.memref_slice %arg3[%add3A_115] : memref<18000000xf32, #tpu.memory_space<hbm>> -> memref<10000xf32, #tpu.memory_space<hbm>>
        tpu.enqueue_dma source(%dma_start3A_116 : memref<10000xf32, #tpu.memory_space<hbm>>) target(%arg7 : memref<10000xf32, #tpu.memory_space<vmem>>) target_semaphore(%arg10 : memref<!tpu.dma_semaphore, #tpu.memory_space<semaphore_mem>>)
        "tpu.region"() ({
          %run_scoped3A = tpu.sem_alloc : memref<!tpu.dma_semaphore, #tpu.memory_space<semaphore_mem>>
          %dma_start3A_126 = tpu.memref_slice %arg2[%add3A_115] : memref<18000000xi32, #tpu.memory_space<hbm>> -> memref<10000xi32, #tpu.memory_space<hbm>>
          %dma_start3A_127 = tpu.memref_slice %arg2[%add3A_115] : memref<18000000xi32, #tpu.memory_space<hbm>> -> memref<10000xi32, #tpu.memory_space<hbm>>
          tpu.enqueue_dma source(%dma_start3A_127 : memref<10000xi32, #tpu.memory_space<hbm>>) target(%arg6 : memref<10000xi32, #tpu.memory_space<vmem>>) target_semaphore(%run_scoped3A : memref<!tpu.dma_semaphore, #tpu.memory_space<semaphore_mem>>)
          %dma_wait3A_128 = tpu.memref_slice %arg2[%add3A_115] : memref<18000000xi32, #tpu.memory_space<hbm>> -> memref<10000xi32, #tpu.memory_space<hbm>>
          %dma_wait3A_129 = tpu.memref_slice %arg2[%add3A_115] : memref<18000000xi32, #tpu.memory_space<hbm>> -> memref<10000xi32, #tpu.memory_space<hbm>>
          tpu.wait_dma2 semaphore(%run_scoped3A : memref<!tpu.dma_semaphore, #tpu.memory_space<semaphore_mem>>) src(%dma_wait3A_129 : memref<10000xi32, #tpu.memory_space<hbm>>) dst(%arg6 : memref<10000xi32, #tpu.memory_space<vmem>>)
          tpu.yield
        }) : () -> ()
        %dma_wait3A = tpu.memref_slice %arg3[%add3A_115] : memref<18000000xf32, #tpu.memory_space<hbm>> -> memref<10000xf32, #tpu.memory_space<hbm>>
        %dma_wait3A_117 = tpu.memref_slice %arg3[%add3A_115] : memref<18000000xf32, #tpu.memory_space<hbm>> -> memref<10000xf32, #tpu.memory_space<hbm>>
        tpu.wait_dma2 semaphore(%arg10 : memref<!tpu.dma_semaphore, #tpu.memory_space<semaphore_mem>>) src(%dma_wait3A_117 : memref<10000xf32, #tpu.memory_space<hbm>>) dst(%arg7 : memref<10000xf32, #tpu.memory_space<vmem>>)
        %le3A_118 = arith.cmpi sle, %select_n3A_46, %mul3A_106 : i32
        %add3A_119 = arith.constant 10000 : i32
        %add3A_120 = arith.addi %mul3A_106, %add3A_119 : i32
        %ge3A = arith.cmpi sge, %select_n3A_51, %add3A_120 : i32
        %and3A_121 = arith.andi %le3A_118, %ge3A : i1
        %not3A = arith.constant true
        %not3A_122 = arith.xori %and3A_121, %not3A : i1
        %convert_element_type3A_123 = arith.extui %not3A_122 : i1 to i32
        %cond3A_124 = arith.constant 0 : i32
        %cond3A_125 = arith.cmpi ne, %convert_element_type3A_123, %cond3A_124 : i32
        scf.if %cond3A_125 {
          %iota3A = tpu.iota {dimensions = array<i32: 0>} : vector<16xi32>
          %scan3A_126 = arith.constant 0 : i32
          %scan3A_127 = arith.constant 0 : i32
          %scan3A_128 = arith.constant 625 : i32
          %scan3A_129 = arith.addi %scan3A_127, %scan3A_128 : i32
          %scan3A_130 = arith.constant 1 : i32
          scf.for %scan3A_132 = %scan3A_127 to %scan3A_129 step %scan3A_130  : i32 {
            %mul3A_133 = arith.constant 16 : i32
            %mul3A_134 = arith.muli %scan3A_132, %mul3A_133 : i32
            %add3A_135 = arith.addi %mul3A_106, %mul3A_134 : i32
            %add3A_136 = vector.broadcast %add3A_135 : i32 to vector<16xi32>
            %add3A_137 = arith.addi %add3A_136, %iota3A : vector<16xi32>
            %ge3A_138 = vector.broadcast %select_n3A_46 : i32 to vector<16xi32>
            %ge3A_139 = arith.cmpi sge, %add3A_137, %ge3A_138 : vector<16xi32>
            %lt3A_140 = vector.broadcast %select_n3A_51 : i32 to vector<16xi32>
            %lt3A_141 = arith.cmpi slt, %add3A_137, %lt3A_140 : vector<16xi32>
            %and3A_142 = arith.andi %ge3A_139, %lt3A_141 : vector<16xi1>
            %mul3A_143 = arith.constant 16 : i32
            %mul3A_144 = arith.muli %scan3A_132, %mul3A_143 : i32
            %get3A_145 = arith.index_cast %mul3A_144 : i32 to index
            %get3A_146 = tpu.vector_load %arg7[%get3A_145] {strides = array<i32>} : memref<10000xf32, #tpu.memory_space<vmem>>, vector<16xf32>,
            %get3A_147 = vector.shape_cast %get3A_146 : vector<16xf32> to vector<16xf32>
            %jit3A_148 = arith.constant 0.000000e+00 : f32
            %broadcast_in_dim3A_149 = vector.broadcast %jit3A_148 : f32 to vector<16xf32>
            %select_n3A_150 = arith.select %and3A_142, %get3A_147, %broadcast_in_dim3A_149 : vector<16xi1>, vector<16xf32>
            %mul3A_151 = arith.constant 16 : i32
            %mul3A_152 = arith.muli %scan3A_132, %mul3A_151 : i32
            %swap3A = arith.index_cast %mul3A_152 : i32 to index
            %swap3A_153 = tpu.vector_load %arg7[%swap3A] {strides = array<i32>} : memref<10000xf32, #tpu.memory_space<vmem>>, vector<16xf32>,
            %swap3A_154 = vector.shape_cast %swap3A_153 : vector<16xf32> to vector<16xf32>
            %swap3A_155 = vector.shape_cast %select_n3A_150 : vector<16xf32> to vector<16xf32>
            tpu.vector_store %arg7[%swap3A], %swap3A_155 {strides = array<i32>} : memref<10000xf32, #tpu.memory_space<vmem>>, vector<16xf32>,
          }
          %scan3A_131 = arith.constant 625 : i32
        } else {
        }
        "tpu.region"() ({
          %run_scoped3A = tpu.sem_alloc : memref<!tpu.dma_semaphore, #tpu.memory_space<semaphore_mem>>
          %dma_start3A_126 = arith.constant 0 : i32
          %dma_start3A_127 = tpu.memref_slice %arg9[%dma_start3A_126] : memref<1619280xf32, #tpu.memory_space<vmem_shared>> -> memref<1619280xf32, #tpu.memory_space<vmem_shared>>
          tpu.enqueue_indirect_dma source(%arg7 : memref<10000xf32, #tpu.memory_space<vmem>>) target(%dma_start3A_127 : memref<1619280xf32, #tpu.memory_space<vmem_shared>>) offsets(%arg6 : memref<10000xi32, #tpu.memory_space<vmem>>) semaphore(%run_scoped3A : memref<!tpu.dma_semaphore, #tpu.memory_space<semaphore_mem>>) {add = true}
          %dma_wait3A_128 = arith.constant 0 : i32
          %dma_wait3A_129 = tpu.memref_slice %arg9[%dma_wait3A_128] : memref<1619280xf32, #tpu.memory_space<vmem_shared>> -> memref<1619280xf32, #tpu.memory_space<vmem_shared>>
          tpu.wait_indirect_dma semaphore(%run_scoped3A : memref<!tpu.dma_semaphore, #tpu.memory_space<semaphore_mem>>) src(%arg7 : memref<10000xf32, #tpu.memory_space<vmem>>) dst(%dma_wait3A_129 : memref<1619280xf32, #tpu.memory_space<vmem_shared>>)
          tpu.yield
        }) : () -> ()
      } else {
      }
    }
    %scan3A_70 = arith.constant 114 : i32
    %barrier3A_71 = arith.constant 0 : index
    tpu.barrier barrier_id(%barrier3A_71)
    %mul3A_72 = arith.constant 1619280 : i32
    %mul3A_73 = arith.muli %add3A_39, %mul3A_72 : i32
    %scan3A_74 = arith.constant 0 : i32
    %scan3A_75 = arith.constant 0 : i32
    %scan3A_76 = arith.constant 11 : i32
    %scan3A_77 = arith.addi %scan3A_75, %scan3A_76 : i32
    %scan3A_78 = arith.constant 1 : i32
    scf.for %scan3A_81 = %scan3A_75 to %scan3A_77 step %scan3A_78  : i32 {
      %mul3A_82 = arith.constant 16 : i32
      %mul3A_83 = arith.muli %mul3A_82, %scan3A_81 : i32
      %add3A_84 = arith.addi %arg1, %mul3A_83 : i32
      %lt3A = arith.constant 161 : i32
      %lt3A_85 = arith.cmpi slt, %add3A_84, %lt3A : i32
      %convert_element_type3A = arith.extui %lt3A_85 : i1 to i32
      %cond3A = arith.constant 0 : i32
      %cond3A_86 = arith.cmpi ne, %convert_element_type3A, %cond3A : i32
      scf.if %cond3A_86 {
        %mul3A_92 = arith.constant 10000 : i32
        %mul3A_93 = arith.muli %add3A_84, %mul3A_92 : i32
        "tpu.region"() ({
          %run_scoped3A = tpu.sem_alloc : memref<!tpu.dma_semaphore, #tpu.memory_space<semaphore_mem>>
          %dma_start3A = tpu.memref_slice %arg9[%mul3A_93] : memref<1619280xf32, #tpu.memory_space<vmem_shared>> -> memref<10000xf32, #tpu.memory_space<vmem_shared>>
          %dma_start3A_97 = tpu.memref_slice %arg9[%mul3A_93] : memref<1619280xf32, #tpu.memory_space<vmem_shared>> -> memref<10000xf32, #tpu.memory_space<vmem_shared>>
          tpu.enqueue_dma source(%dma_start3A_97 : memref<10000xf32, #tpu.memory_space<vmem_shared>>) target(%arg7 : memref<10000xf32, #tpu.memory_space<vmem>>) target_semaphore(%run_scoped3A : memref<!tpu.dma_semaphore, #tpu.memory_space<semaphore_mem>>)
          %dma_wait3A = tpu.memref_slice %arg9[%mul3A_93] : memref<1619280xf32, #tpu.memory_space<vmem_shared>> -> memref<10000xf32, #tpu.memory_space<vmem_shared>>
          %dma_wait3A_98 = tpu.memref_slice %arg9[%mul3A_93] : memref<1619280xf32, #tpu.memory_space<vmem_shared>> -> memref<10000xf32, #tpu.memory_space<vmem_shared>>
          tpu.wait_dma2 semaphore(%run_scoped3A : memref<!tpu.dma_semaphore, #tpu.memory_space<semaphore_mem>>) src(%dma_wait3A_98 : memref<10000xf32, #tpu.memory_space<vmem_shared>>) dst(%arg7 : memref<10000xf32, #tpu.memory_space<vmem>>)
          tpu.yield
        }) : () -> ()
        %mul3A_94 = arith.constant 10000 : i32
        %mul3A_95 = arith.muli %add3A_84, %mul3A_94 : i32
        %add3A_96 = arith.addi %mul3A_73, %mul3A_95 : i32
        "tpu.region"() ({
          %run_scoped3A = tpu.sem_alloc : memref<!tpu.dma_semaphore, #tpu.memory_space<semaphore_mem>>
          %dma_start3A = tpu.memref_slice %arg5[%add3A_96] : memref<6477120xf32, #tpu.memory_space<hbm>> -> memref<10000xf32, #tpu.memory_space<hbm>>
          %dma_start3A_97 = tpu.memref_slice %arg5[%add3A_96] : memref<6477120xf32, #tpu.memory_space<hbm>> -> memref<10000xf32, #tpu.memory_space<hbm>>
          tpu.enqueue_dma source(%arg7 : memref<10000xf32, #tpu.memory_space<vmem>>) target(%dma_start3A_97 : memref<10000xf32, #tpu.memory_space<hbm>>) target_semaphore(%run_scoped3A : memref<!tpu.dma_semaphore, #tpu.memory_space<semaphore_mem>>)
          %dma_wait3A = tpu.memref_slice %arg5[%add3A_96] : memref<6477120xf32, #tpu.memory_space<hbm>> -> memref<10000xf32, #tpu.memory_space<hbm>>
          %dma_wait3A_98 = tpu.memref_slice %arg5[%add3A_96] : memref<6477120xf32, #tpu.memory_space<hbm>> -> memref<10000xf32, #tpu.memory_space<hbm>>
          tpu.wait_dma2 semaphore(%run_scoped3A : memref<!tpu.dma_semaphore, #tpu.memory_space<semaphore_mem>>) src(%arg7 : memref<10000xf32, #tpu.memory_space<vmem>>) dst(%dma_wait3A_98 : memref<10000xf32, #tpu.memory_space<hbm>>)
          tpu.yield
        }) : () -> ()
      } else {
      }
      %eq3A_87 = arith.constant 161 : i32
      %eq3A_88 = arith.cmpi eq, %add3A_84, %eq3A_87 : i32
      %convert_element_type3A_89 = arith.extui %eq3A_88 : i1 to i32
      %cond3A_90 = arith.constant 0 : i32
      %cond3A_91 = arith.cmpi ne, %convert_element_type3A_89, %cond3A_90 : i32
      scf.if %cond3A_91 {
        "tpu.region"() ({
          %run_scoped3A = tpu.sem_alloc : memref<!tpu.dma_semaphore, #tpu.memory_space<semaphore_mem>>
          %dma_start3A = arith.constant 0 : i32
          %dma_start3A_94 = tpu.memref_slice %arg7[%dma_start3A] : memref<10000xf32, #tpu.memory_space<vmem>> -> memref<9280xf32, #tpu.memory_space<vmem>>
          %dma_start3A_95 = arith.constant 1610000 : i32
          %dma_start3A_96 = tpu.memref_slice %arg9[%dma_start3A_95] : memref<1619280xf32, #tpu.memory_space<vmem_shared>> -> memref<9280xf32, #tpu.memory_space<vmem_shared>>
          %dma_start3A_97 = arith.constant 0 : i32
          %dma_start3A_98 = tpu.memref_slice %arg7[%dma_start3A_97] : memref<10000xf32, #tpu.memory_space<vmem>> -> memref<9280xf32, #tpu.memory_space<vmem>>
          %dma_start3A_99 = arith.constant 1610000 : i32
          %dma_start3A_100 = tpu.memref_slice %arg9[%dma_start3A_99] : memref<1619280xf32, #tpu.memory_space<vmem_shared>> -> memref<9280xf32, #tpu.memory_space<vmem_shared>>
          tpu.enqueue_dma source(%dma_start3A_100 : memref<9280xf32, #tpu.memory_space<vmem_shared>>) target(%dma_start3A_98 : memref<9280xf32, #tpu.memory_space<vmem>>) target_semaphore(%run_scoped3A : memref<!tpu.dma_semaphore, #tpu.memory_space<semaphore_mem>>)
          %dma_wait3A = arith.constant 0 : i32
          %dma_wait3A_101 = tpu.memref_slice %arg7[%dma_wait3A] : memref<10000xf32, #tpu.memory_space<vmem>> -> memref<9280xf32, #tpu.memory_space<vmem>>
          %dma_wait3A_102 = arith.constant 1610000 : i32
          %dma_wait3A_103 = tpu.memref_slice %arg9[%dma_wait3A_102] : memref<1619280xf32, #tpu.memory_space<vmem_shared>> -> memref<9280xf32, #tpu.memory_space<vmem_shared>>
          %dma_wait3A_104 = arith.constant 0 : i32
          %dma_wait3A_105 = tpu.memref_slice %arg7[%dma_wait3A_104] : memref<10000xf32, #tpu.memory_space<vmem>> -> memref<9280xf32, #tpu.memory_space<vmem>>
          %dma_wait3A_106 = arith.constant 1610000 : i32
          %dma_wait3A_107 = tpu.memref_slice %arg9[%dma_wait3A_106] : memref<1619280xf32, #tpu.memory_space<vmem_shared>> -> memref<9280xf32, #tpu.memory_space<vmem_shared>>
          tpu.wait_dma2 semaphore(%run_scoped3A : memref<!tpu.dma_semaphore, #tpu.memory_space<semaphore_mem>>) src(%dma_wait3A_107 : memref<9280xf32, #tpu.memory_space<vmem_shared>>) dst(%dma_wait3A_105 : memref<9280xf32, #tpu.memory_space<vmem>>)
          tpu.yield
        }) : () -> ()
        %add3A_92 = arith.constant 1610000 : i32
        %add3A_93 = arith.addi %mul3A_73, %add3A_92 : i32
        "tpu.region"() ({
          %run_scoped3A = tpu.sem_alloc : memref<!tpu.dma_semaphore, #tpu.memory_space<semaphore_mem>>
          %dma_start3A = arith.constant 0 : i32
          %dma_start3A_94 = tpu.memref_slice %arg7[%dma_start3A] : memref<10000xf32, #tpu.memory_space<vmem>> -> memref<9280xf32, #tpu.memory_space<vmem>>
          %dma_start3A_95 = tpu.memref_slice %arg5[%add3A_93] : memref<6477120xf32, #tpu.memory_space<hbm>> -> memref<9280xf32, #tpu.memory_space<hbm>>
          %dma_start3A_96 = tpu.memref_slice %arg5[%add3A_93] : memref<6477120xf32, #tpu.memory_space<hbm>> -> memref<9280xf32, #tpu.memory_space<hbm>>
          %dma_start3A_97 = arith.constant 0 : i32
          %dma_start3A_98 = tpu.memref_slice %arg7[%dma_start3A_97] : memref<10000xf32, #tpu.memory_space<vmem>> -> memref<9280xf32, #tpu.memory_space<vmem>>
          tpu.enqueue_dma source(%dma_start3A_98 : memref<9280xf32, #tpu.memory_space<vmem>>) target(%dma_start3A_96 : memref<9280xf32, #tpu.memory_space<hbm>>) target_semaphore(%run_scoped3A : memref<!tpu.dma_semaphore, #tpu.memory_space<semaphore_mem>>)
          %dma_wait3A = arith.constant 0 : i32
          %dma_wait3A_99 = tpu.memref_slice %arg7[%dma_wait3A] : memref<10000xf32, #tpu.memory_space<vmem>> -> memref<9280xf32, #tpu.memory_space<vmem>>
          %dma_wait3A_100 = tpu.memref_slice %arg5[%add3A_93] : memref<6477120xf32, #tpu.memory_space<hbm>> -> memref<9280xf32, #tpu.memory_space<hbm>>
          %dma_wait3A_101 = tpu.memref_slice %arg5[%add3A_93] : memref<6477120xf32, #tpu.memory_space<hbm>> -> memref<9280xf32, #tpu.memory_space<hbm>>
          %dma_wait3A_102 = arith.constant 0 : i32
          %dma_wait3A_103 = tpu.memref_slice %arg7[%dma_wait3A_102] : memref<10000xf32, #tpu.memory_space<vmem>> -> memref<9280xf32, #tpu.memory_space<vmem>>
          tpu.wait_dma2 semaphore(%run_scoped3A : memref<!tpu.dma_semaphore, #tpu.memory_space<semaphore_mem>>) src(%dma_wait3A_103 : memref<9280xf32, #tpu.memory_space<vmem>>) dst(%dma_wait3A_101 : memref<9280xf32, #tpu.memory_space<hbm>>)
          tpu.yield
        }) : () -> ()
      } else {
      }
    }
    %scan3A_79 = arith.constant 11 : i32
    %barrier3A_80 = arith.constant 0 : index
    tpu.barrier barrier_id(%barrier3A_80)
    return
  }
}

module attributes {stable_mosaic.version = 14 : i64} {
  func.func @_stats_body(%arg0: i32, %arg1: memref<1x15625x128xf32, #tpu.memory_space<vmem>>, %arg2: memref<1x15625x128xf32, #tpu.memory_space<vmem>>, %arg3: memref<8x128xf32, #tpu.memory_space<vmem>>) attributes {dimension_semantics = [#tpu.dimension_semantics<arbitrary>], iteration_bounds = array<i64: 1>, scalar_prefetch = 0 : i64, scratch_operands = 0 : i64, tpu.core_type = #tpu.core_type<tc>, window_params = [{transform_indices = @transform_0, window_bounds = array<i64: 1, 15625, 128>}, {transform_indices = @transform_1, window_bounds = array<i64: 1, 15625, 128>}, {pipeline_mode = #tpu.pipeline_mode<synchronous>, transform_indices = @transform_2, window_bounds = array<i64: 8, 128>}]} {
    %eq3A = arith.constant 0 : i32
    %eq3A_0 = arith.cmpi eq, %arg0, %eq3A : i32
    %convert_element_type3A = arith.extui %eq3A_0 : i1 to i32
    %cond3A = arith.constant 0 : i32
    %cond3A_1 = arith.cmpi ne, %convert_element_type3A, %cond3A : i32
    scf.if %cond3A_1 {
      %broadcast_in_dim3A_127 = arith.constant -1.000000e+00 : f32
      %broadcast_in_dim3A_128 = vector.broadcast %broadcast_in_dim3A_127 : f32 to vector<4x128xf32>
      %broadcast_in_dim3A_129 = arith.constant 0.000000e+00 : f32
      %broadcast_in_dim3A_130 = vector.broadcast %broadcast_in_dim3A_129 : f32 to vector<4x128xf32>
      %concatenate3A = tpu.concatenate %broadcast_in_dim3A_128, %broadcast_in_dim3A_130 in 0 : vector<4x128xf32>, vector<4x128xf32> -> vector<8x128xf32>
      %swap3A_131 = arith.constant 0 : index
      %swap3A_132 = arith.constant 0 : index
      %swap3A_133 = vector.load %arg3[%swap3A_131, %swap3A_132] : memref<8x128xf32, #tpu.memory_space<vmem>>, vector<8x128xf32>
      tpu.vector_store %arg3[%swap3A_131, %swap3A_132], %concatenate3A {strides = array<i32>} : memref<8x128xf32, #tpu.memory_space<vmem>>, vector<8x128xf32>,
    } else {
    }
    %get3A = arith.constant 0 : index
    %get3A_2 = arith.constant 0 : index
    %get3A_3 = arith.constant 0 : index
    %get3A_4 = vector.load %arg1[%get3A, %get3A_2, %get3A_3] : memref<1x15625x128xf32, #tpu.memory_space<vmem>>, vector<1x15625x128xf32>
    %get3A_5 = vector.shape_cast %get3A_4 : vector<1x15625x128xf32> to vector<15625x128xf32>
    %get3A_6 = arith.constant 0 : index
    %get3A_7 = arith.constant 0 : index
    %get3A_8 = arith.constant 0 : index
    %get3A_9 = vector.load %arg2[%get3A_6, %get3A_7, %get3A_8] : memref<1x15625x128xf32, #tpu.memory_space<vmem>>, vector<1x15625x128xf32>
    %get3A_10 = vector.shape_cast %get3A_9 : vector<1x15625x128xf32> to vector<15625x128xf32>
    %eq3A_11 = arith.constant 0.000000e+00 : f32
    %eq3A_12 = vector.broadcast %eq3A_11 : f32 to vector<15625x128xf32>
    %eq3A_13 = arith.cmpf oeq, %get3A_10, %eq3A_12 : vector<15625x128xf32>
    %get3A_14 = arith.constant 0 : index
    %get3A_15 = arith.constant 0 : index
    %get3A_16 = vector.load %arg3[%get3A_14, %get3A_15] : memref<8x128xf32, #tpu.memory_space<vmem>>, vector<1x128xf32>
    %jit3A = arith.constant -1.000000e+00 : f32
    %broadcast_in_dim3A = vector.broadcast %jit3A : f32 to vector<15625x128xf32>
    %select_n3A = arith.select %eq3A_13, %get3A_5, %broadcast_in_dim3A : vector<15625x128xi1>, vector<15625x128xf32>
    %reduce_max3A = arith.constant dense<0xFF800000> : vector<128xf32>
    %reduce_max3A_17 = vector.multi_reduction <maximumf>, %select_n3A, %reduce_max3A [0] : vector<15625x128xf32> to vector<128xf32>
    %broadcast_in_dim3A_18 = vector.shape_cast %reduce_max3A_17 : vector<128xf32> to vector<1x128xf32>
    %max3A = arith.maximumf %get3A_16, %broadcast_in_dim3A_18 : vector<1x128xf32>
    %swap3A = arith.constant 0 : index
    %swap3A_19 = arith.constant 0 : index
    %swap3A_20 = vector.load %arg3[%swap3A, %swap3A_19] : memref<8x128xf32, #tpu.memory_space<vmem>>, vector<1x128xf32>
    tpu.vector_store %arg3[%swap3A, %swap3A_19], %max3A {strides = array<i32>} : memref<8x128xf32, #tpu.memory_space<vmem>>, vector<1x128xf32>,
    %get3A_21 = arith.constant 4 : index
    %get3A_22 = arith.constant 0 : index
    %get3A_23 = vector.load %arg3[%get3A_21, %get3A_22] : memref<8x128xf32, #tpu.memory_space<vmem>>, vector<1x128xf32>
    %jit3A_24 = arith.constant 1.000000e+00 : f32
    %jit3A_25 = arith.constant 0.000000e+00 : f32
    %broadcast_in_dim3A_26 = vector.broadcast %jit3A_24 : f32 to vector<15625x128xf32>
    %broadcast_in_dim3A_27 = vector.broadcast %jit3A_25 : f32 to vector<15625x128xf32>
    %select_n3A_28 = arith.select %eq3A_13, %broadcast_in_dim3A_26, %broadcast_in_dim3A_27 : vector<15625x128xi1>, vector<15625x128xf32>
    %reduce_sum3A = arith.constant dense<0.000000e+00> : vector<128xf32>
    %reduce_sum3A_29 = vector.multi_reduction <add>, %select_n3A_28, %reduce_sum3A [0] : vector<15625x128xf32> to vector<128xf32>
    %broadcast_in_dim3A_30 = vector.shape_cast %reduce_sum3A_29 : vector<128xf32> to vector<1x128xf32>
    %add3A = arith.addf %get3A_23, %broadcast_in_dim3A_30 : vector<1x128xf32>
    %swap3A_31 = arith.constant 4 : index
    %swap3A_32 = arith.constant 0 : index
    %swap3A_33 = vector.load %arg3[%swap3A_31, %swap3A_32] : memref<8x128xf32, #tpu.memory_space<vmem>>, vector<1x128xf32>
    tpu.vector_store %arg3[%swap3A_31, %swap3A_32], %add3A {strides = array<i32>} : memref<8x128xf32, #tpu.memory_space<vmem>>, vector<1x128xf32>,
    %eq3A_34 = arith.constant 1.000000e+00 : f32
    %eq3A_35 = vector.broadcast %eq3A_34 : f32 to vector<15625x128xf32>
    %eq3A_36 = arith.cmpf oeq, %get3A_10, %eq3A_35 : vector<15625x128xf32>
    %get3A_37 = arith.constant 1 : index
    %get3A_38 = arith.constant 0 : index
    %get3A_39 = vector.load %arg3[%get3A_37, %get3A_38] : memref<8x128xf32, #tpu.memory_space<vmem>>, vector<1x128xf32>
    %jit3A_40 = arith.constant -1.000000e+00 : f32
    %broadcast_in_dim3A_41 = vector.broadcast %jit3A_40 : f32 to vector<15625x128xf32>
    %select_n3A_42 = arith.select %eq3A_36, %get3A_5, %broadcast_in_dim3A_41 : vector<15625x128xi1>, vector<15625x128xf32>
    %reduce_max3A_43 = arith.constant dense<0xFF800000> : vector<128xf32>
    %reduce_max3A_44 = vector.multi_reduction <maximumf>, %select_n3A_42, %reduce_max3A_43 [0] : vector<15625x128xf32> to vector<128xf32>
    %broadcast_in_dim3A_45 = vector.shape_cast %reduce_max3A_44 : vector<128xf32> to vector<1x128xf32>
    %max3A_46 = arith.maximumf %get3A_39, %broadcast_in_dim3A_45 : vector<1x128xf32>
    %swap3A_47 = arith.constant 1 : index
    %swap3A_48 = arith.constant 0 : index
    %swap3A_49 = vector.load %arg3[%swap3A_47, %swap3A_48] : memref<8x128xf32, #tpu.memory_space<vmem>>, vector<1x128xf32>
    tpu.vector_store %arg3[%swap3A_47, %swap3A_48], %max3A_46 {strides = array<i32>} : memref<8x128xf32, #tpu.memory_space<vmem>>, vector<1x128xf32>,
    %get3A_50 = arith.constant 5 : index
    %get3A_51 = arith.constant 0 : index
    %get3A_52 = vector.load %arg3[%get3A_50, %get3A_51] : memref<8x128xf32, #tpu.memory_space<vmem>>, vector<1x128xf32>
    %jit3A_53 = arith.constant 1.000000e+00 : f32
    %jit3A_54 = arith.constant 0.000000e+00 : f32
    %broadcast_in_dim3A_55 = vector.broadcast %jit3A_53 : f32 to vector<15625x128xf32>
    %broadcast_in_dim3A_56 = vector.broadcast %jit3A_54 : f32 to vector<15625x128xf32>
    %select_n3A_57 = arith.select %eq3A_36, %broadcast_in_dim3A_55, %broadcast_in_dim3A_56 : vector<15625x128xi1>, vector<15625x128xf32>
    %reduce_sum3A_58 = arith.constant dense<0.000000e+00> : vector<128xf32>
    %reduce_sum3A_59 = vector.multi_reduction <add>, %select_n3A_57, %reduce_sum3A_58 [0] : vector<15625x128xf32> to vector<128xf32>
    %broadcast_in_dim3A_60 = vector.shape_cast %reduce_sum3A_59 : vector<128xf32> to vector<1x128xf32>
    %add3A_61 = arith.addf %get3A_52, %broadcast_in_dim3A_60 : vector<1x128xf32>
    %swap3A_62 = arith.constant 5 : index
    %swap3A_63 = arith.constant 0 : index
    %swap3A_64 = vector.load %arg3[%swap3A_62, %swap3A_63] : memref<8x128xf32, #tpu.memory_space<vmem>>, vector<1x128xf32>
    tpu.vector_store %arg3[%swap3A_62, %swap3A_63], %add3A_61 {strides = array<i32>} : memref<8x128xf32, #tpu.memory_space<vmem>>, vector<1x128xf32>,
    %eq3A_65 = arith.constant 2.000000e+00 : f32
    %eq3A_66 = vector.broadcast %eq3A_65 : f32 to vector<15625x128xf32>
    %eq3A_67 = arith.cmpf oeq, %get3A_10, %eq3A_66 : vector<15625x128xf32>
    %get3A_68 = arith.constant 2 : index
    %get3A_69 = arith.constant 0 : index
    %get3A_70 = vector.load %arg3[%get3A_68, %get3A_69] : memref<8x128xf32, #tpu.memory_space<vmem>>, vector<1x128xf32>
    %jit3A_71 = arith.constant -1.000000e+00 : f32
    %broadcast_in_dim3A_72 = vector.broadcast %jit3A_71 : f32 to vector<15625x128xf32>
    %select_n3A_73 = arith.select %eq3A_67, %get3A_5, %broadcast_in_dim3A_72 : vector<15625x128xi1>, vector<15625x128xf32>
    %reduce_max3A_74 = arith.constant dense<0xFF800000> : vector<128xf32>
    %reduce_max3A_75 = vector.multi_reduction <maximumf>, %select_n3A_73, %reduce_max3A_74 [0] : vector<15625x128xf32> to vector<128xf32>
    %broadcast_in_dim3A_76 = vector.shape_cast %reduce_max3A_75 : vector<128xf32> to vector<1x128xf32>
    %max3A_77 = arith.maximumf %get3A_70, %broadcast_in_dim3A_76 : vector<1x128xf32>
    %swap3A_78 = arith.constant 2 : index
    %swap3A_79 = arith.constant 0 : index
    %swap3A_80 = vector.load %arg3[%swap3A_78, %swap3A_79] : memref<8x128xf32, #tpu.memory_space<vmem>>, vector<1x128xf32>
    tpu.vector_store %arg3[%swap3A_78, %swap3A_79], %max3A_77 {strides = array<i32>} : memref<8x128xf32, #tpu.memory_space<vmem>>, vector<1x128xf32>,
    %get3A_81 = arith.constant 6 : index
    %get3A_82 = arith.constant 0 : index
    %get3A_83 = vector.load %arg3[%get3A_81, %get3A_82] : memref<8x128xf32, #tpu.memory_space<vmem>>, vector<1x128xf32>
    %jit3A_84 = arith.constant 1.000000e+00 : f32
    %jit3A_85 = arith.constant 0.000000e+00 : f32
    %broadcast_in_dim3A_86 = vector.broadcast %jit3A_84 : f32 to vector<15625x128xf32>
    %broadcast_in_dim3A_87 = vector.broadcast %jit3A_85 : f32 to vector<15625x128xf32>
    %select_n3A_88 = arith.select %eq3A_67, %broadcast_in_dim3A_86, %broadcast_in_dim3A_87 : vector<15625x128xi1>, vector<15625x128xf32>
    %reduce_sum3A_89 = arith.constant dense<0.000000e+00> : vector<128xf32>
    %reduce_sum3A_90 = vector.multi_reduction <add>, %select_n3A_88, %reduce_sum3A_89 [0] : vector<15625x128xf32> to vector<128xf32>
    %broadcast_in_dim3A_91 = vector.shape_cast %reduce_sum3A_90 : vector<128xf32> to vector<1x128xf32>
    %add3A_92 = arith.addf %get3A_83, %broadcast_in_dim3A_91 : vector<1x128xf32>
    %swap3A_93 = arith.constant 6 : index
    %swap3A_94 = arith.constant 0 : index
    %swap3A_95 = vector.load %arg3[%swap3A_93, %swap3A_94] : memref<8x128xf32, #tpu.memory_space<vmem>>, vector<1x128xf32>
    tpu.vector_store %arg3[%swap3A_93, %swap3A_94], %add3A_92 {strides = array<i32>} : memref<8x128xf32, #tpu.memory_space<vmem>>, vector<1x128xf32>,
    %eq3A_96 = arith.constant 3.000000e+00 : f32
    %eq3A_97 = vector.broadcast %eq3A_96 : f32 to vector<15625x128xf32>
    %eq3A_98 = arith.cmpf oeq, %get3A_10, %eq3A_97 : vector<15625x128xf32>
    %get3A_99 = arith.constant 3 : index
    %get3A_100 = arith.constant 0 : index
    %get3A_101 = vector.load %arg3[%get3A_99, %get3A_100] : memref<8x128xf32, #tpu.memory_space<vmem>>, vector<1x128xf32>
    %jit3A_102 = arith.constant -1.000000e+00 : f32
    %broadcast_in_dim3A_103 = vector.broadcast %jit3A_102 : f32 to vector<15625x128xf32>
    %select_n3A_104 = arith.select %eq3A_98, %get3A_5, %broadcast_in_dim3A_103 : vector<15625x128xi1>, vector<15625x128xf32>
    %reduce_max3A_105 = arith.constant dense<0xFF800000> : vector<128xf32>
    %reduce_max3A_106 = vector.multi_reduction <maximumf>, %select_n3A_104, %reduce_max3A_105 [0] : vector<15625x128xf32> to vector<128xf32>
    %broadcast_in_dim3A_107 = vector.shape_cast %reduce_max3A_106 : vector<128xf32> to vector<1x128xf32>
    %max3A_108 = arith.maximumf %get3A_101, %broadcast_in_dim3A_107 : vector<1x128xf32>
    %swap3A_109 = arith.constant 3 : index
    %swap3A_110 = arith.constant 0 : index
    %swap3A_111 = vector.load %arg3[%swap3A_109, %swap3A_110] : memref<8x128xf32, #tpu.memory_space<vmem>>, vector<1x128xf32>
    tpu.vector_store %arg3[%swap3A_109, %swap3A_110], %max3A_108 {strides = array<i32>} : memref<8x128xf32, #tpu.memory_space<vmem>>, vector<1x128xf32>,
    %get3A_112 = arith.constant 7 : index
    %get3A_113 = arith.constant 0 : index
    %get3A_114 = vector.load %arg3[%get3A_112, %get3A_113] : memref<8x128xf32, #tpu.memory_space<vmem>>, vector<1x128xf32>
    %jit3A_115 = arith.constant 1.000000e+00 : f32
    %jit3A_116 = arith.constant 0.000000e+00 : f32
    %broadcast_in_dim3A_117 = vector.broadcast %jit3A_115 : f32 to vector<15625x128xf32>
    %broadcast_in_dim3A_118 = vector.broadcast %jit3A_116 : f32 to vector<15625x128xf32>
    %select_n3A_119 = arith.select %eq3A_98, %broadcast_in_dim3A_117, %broadcast_in_dim3A_118 : vector<15625x128xi1>, vector<15625x128xf32>
    %reduce_sum3A_120 = arith.constant dense<0.000000e+00> : vector<128xf32>
    %reduce_sum3A_121 = vector.multi_reduction <add>, %select_n3A_119, %reduce_sum3A_120 [0] : vector<15625x128xf32> to vector<128xf32>
    %broadcast_in_dim3A_122 = vector.shape_cast %reduce_sum3A_121 : vector<128xf32> to vector<1x128xf32>
    %add3A_123 = arith.addf %get3A_114, %broadcast_in_dim3A_122 : vector<1x128xf32>
    %swap3A_124 = arith.constant 7 : index
    %swap3A_125 = arith.constant 0 : index
    %swap3A_126 = vector.load %arg3[%swap3A_124, %swap3A_125] : memref<8x128xf32, #tpu.memory_space<vmem>>, vector<1x128xf32>
    tpu.vector_store %arg3[%swap3A_124, %swap3A_125], %add3A_123 {strides = array<i32>} : memref<8x128xf32, #tpu.memory_space<vmem>>, vector<1x128xf32>,
    return
  }
  func.func @transform_0(%arg0: i32) -> (i32, i32, i32) {
    %c2_i32 = arith.constant 2 : i32
    %c0_i32 = arith.constant 0 : i32
    %c0_i32_0 = arith.constant 0 : i32
    return %c2_i32, %arg0, %c0_i32 : i32, i32, i32
  }
  func.func @transform_1(%arg0: i32) -> (i32, i32, i32) {
    %c4_i32 = arith.constant 4 : i32
    %c0_i32 = arith.constant 0 : i32
    %c0_i32_0 = arith.constant 0 : i32
    return %c4_i32, %arg0, %c0_i32 : i32, i32, i32
  }
  func.func @transform_2(%arg0: i32) -> (i32, i32) {
    %c0_i32 = arith.constant 0 : i32
    %c0_i32_0 = arith.constant 0 : i32
    %c0_i32_1 = arith.constant 0 : i32
    return %c0_i32, %c0_i32_0 : i32, i32
  }
}

module attributes {stable_mosaic.version = 14 : i64} {
  func.func @_mlp_body(%arg0: i32, %arg1: memref<5x16000xf32, #tpu.memory_space<vmem>>, %arg2: memref<4xf32, #tpu.memory_space<smem>>, %arg3: memref<1xf32, #tpu.memory_space<smem>>, %arg4: memref<32x1xf32, #tpu.memory_space<vmem>>, %arg5: memref<32x1xf32, #tpu.memory_space<vmem>>, %arg6: memref<32x32xf32, #tpu.memory_space<vmem>>, %arg7: memref<32x1xf32, #tpu.memory_space<vmem>>, %arg8: memref<32x1xf32, #tpu.memory_space<vmem>>, %arg9: memref<9x16000xf32, #tpu.memory_space<vmem>>, %arg10: memref<9x16000xi32, #tpu.memory_space<vmem>>) attributes {dimension_semantics = [#tpu.dimension_semantics<arbitrary>], iteration_bounds = array<i64: 125>, scalar_prefetch = 0 : i64, scratch_operands = 0 : i64, tpu.core_type = #tpu.core_type<tc>, window_params = [{transform_indices = @transform_0, window_bounds = array<i64: 5, 16000>}, {transform_indices = @transform_1, window_bounds = array<i64: 4>}, {transform_indices = @transform_2, window_bounds = array<i64: 1>}, {pipeline_mode = #tpu.pipeline_mode<synchronous>, transform_indices = @transform_3, window_bounds = array<i64: 32, 1>}, {pipeline_mode = #tpu.pipeline_mode<synchronous>, transform_indices = @transform_4, window_bounds = array<i64: 32, 1>}, {pipeline_mode = #tpu.pipeline_mode<synchronous>, transform_indices = @transform_5, window_bounds = array<i64: 32, 32>}, {pipeline_mode = #tpu.pipeline_mode<synchronous>, transform_indices = @transform_6, window_bounds = array<i64: 32, 1>}, {pipeline_mode = #tpu.pipeline_mode<synchronous>, transform_indices = @transform_7, window_bounds = array<i64: 32, 1>}, {transform_indices = @transform_8, window_bounds = array<i64: 9, 16000>}, {transform_indices = @transform_9, window_bounds = array<i64: 9, 16000>}]} {
    %get3A = arith.constant 0 : index
    %get3A_0 = arith.constant 0 : index
    %get3A_1 = vector.load %arg1[%get3A, %get3A_0] : memref<5x16000xf32, #tpu.memory_space<vmem>>, vector<1x16000xf32>
    %get3A_2 = arith.constant 1 : index
    %get3A_3 = arith.constant 0 : index
    %get3A_4 = vector.load %arg1[%get3A_2, %get3A_3] : memref<5x16000xf32, #tpu.memory_space<vmem>>, vector<1x16000xf32>
    %get3A_5 = arith.constant 2 : index
    %get3A_6 = arith.constant 0 : index
    %get3A_7 = vector.load %arg1[%get3A_5, %get3A_6] : memref<5x16000xf32, #tpu.memory_space<vmem>>, vector<1x16000xf32>
    %get3A_8 = arith.constant 3 : index
    %get3A_9 = arith.constant 0 : index
    %get3A_10 = vector.load %arg1[%get3A_8, %get3A_9] : memref<5x16000xf32, #tpu.memory_space<vmem>>, vector<1x16000xf32>
    %get3A_11 = arith.constant 4 : index
    %get3A_12 = arith.constant 0 : index
    %get3A_13 = vector.load %arg1[%get3A_11, %get3A_12] : memref<5x16000xf32, #tpu.memory_space<vmem>>, vector<1x16000xf32>
    %convert_element_type3A = arith.fptosi %get3A_13 : vector<1x16000xf32> to vector<1x16000xi32>
    %eq3A = arith.constant 0 : i32
    %eq3A_14 = vector.broadcast %eq3A : i32 to vector<1x16000xi32>
    %eq3A_15 = arith.cmpi eq, %convert_element_type3A, %eq3A_14 : vector<1x16000xi32>
    %get3A_16 = arith.constant 0 : index
    %get3A_17 = memref.load %arg2[%get3A_16] : memref<4xf32, #tpu.memory_space<smem>>
    %eq3A_18 = arith.constant 1 : i32
    %eq3A_19 = vector.broadcast %eq3A_18 : i32 to vector<1x16000xi32>
    %eq3A_20 = arith.cmpi eq, %convert_element_type3A, %eq3A_19 : vector<1x16000xi32>
    %get3A_21 = arith.constant 1 : index
    %get3A_22 = memref.load %arg2[%get3A_21] : memref<4xf32, #tpu.memory_space<smem>>
    %eq3A_23 = arith.constant 2 : i32
    %eq3A_24 = vector.broadcast %eq3A_23 : i32 to vector<1x16000xi32>
    %eq3A_25 = arith.cmpi eq, %convert_element_type3A, %eq3A_24 : vector<1x16000xi32>
    %get3A_26 = arith.constant 2 : index
    %get3A_27 = memref.load %arg2[%get3A_26] : memref<4xf32, #tpu.memory_space<smem>>
    %get3A_28 = arith.constant 3 : index
    %get3A_29 = memref.load %arg2[%get3A_28] : memref<4xf32, #tpu.memory_space<smem>>
    %broadcast_in_dim3A = vector.broadcast %get3A_27 : f32 to vector<1x16000xf32>
    %broadcast_in_dim3A_30 = vector.broadcast %get3A_29 : f32 to vector<1x16000xf32>
    %select_n3A = arith.select %eq3A_25, %broadcast_in_dim3A, %broadcast_in_dim3A_30 : vector<1x16000xi1>, vector<1x16000xf32>
    %broadcast_in_dim3A_31 = vector.broadcast %get3A_22 : f32 to vector<1x16000xf32>
    %select_n3A_32 = arith.select %eq3A_20, %broadcast_in_dim3A_31, %select_n3A : vector<1x16000xi1>, vector<1x16000xf32>
    %broadcast_in_dim3A_33 = vector.broadcast %get3A_17 : f32 to vector<1x16000xf32>
    %select_n3A_34 = arith.select %eq3A_15, %broadcast_in_dim3A_33, %select_n3A_32 : vector<1x16000xi1>, vector<1x16000xf32>
    %div3A = arith.divf %get3A_7, %select_n3A_34 : vector<1x16000xf32>
    %mul3A = arith.constant 3.460000e+02 : f32
    %mul3A_35 = vector.broadcast %mul3A : f32 to vector<1x16000xf32>
    %mul3A_36 = arith.mulf %mul3A_35, %get3A_4 : vector<1x16000xf32>
    %add3A = arith.addf %get3A_1, %mul3A_36 : vector<1x16000xf32>
    %mul3A_37 = arith.constant 8.096400e+05 : f32
    %mul3A_38 = vector.broadcast %mul3A_37 : f32 to vector<1x16000xf32>
    %mul3A_39 = arith.mulf %mul3A_38, %get3A_10 : vector<1x16000xf32>
    %add3A_40 = arith.addf %add3A, %mul3A_39 : vector<1x16000xf32>
    %mul3A_41 = arith.constant 1.619280e+06 : f32
    %mul3A_42 = vector.broadcast %mul3A_41 : f32 to vector<1x16000xf32>
    %mul3A_43 = arith.mulf %mul3A_42, %get3A_13 : vector<1x16000xf32>
    %add3A_44 = arith.addf %add3A_40, %mul3A_43 : vector<1x16000xf32>
    %get3A_45 = arith.constant 0 : index
    %get3A_46 = arith.constant 0 : index
    %get3A_47 = vector.load %arg4[%get3A_45, %get3A_46] : memref<32x1xf32, #tpu.memory_space<vmem>>, vector<32x1xf32>
    %get3A_48 = arith.constant 0 : index
    %get3A_49 = arith.constant 0 : index
    %get3A_50 = vector.load %arg5[%get3A_48, %get3A_49] : memref<32x1xf32, #tpu.memory_space<vmem>>, vector<32x1xf32>
    %get3A_51 = arith.constant 0 : index
    %get3A_52 = arith.constant 0 : index
    %get3A_53 = vector.load %arg6[%get3A_51, %get3A_52] : memref<32x32xf32, #tpu.memory_space<vmem>>, vector<32x32xf32>
    %get3A_54 = arith.constant 0 : index
    %get3A_55 = arith.constant 0 : index
    %get3A_56 = vector.load %arg7[%get3A_54, %get3A_55] : memref<32x1xf32, #tpu.memory_space<vmem>>, vector<32x1xf32>
    %get3A_57 = arith.constant 0 : index
    %get3A_58 = arith.constant 0 : index
    %get3A_59 = vector.load %arg8[%get3A_57, %get3A_58] : memref<32x1xf32, #tpu.memory_space<vmem>>, vector<32x1xf32>
    %get3A_60 = arith.constant 0 : index
    %get3A_61 = memref.load %arg3[%get3A_60] : memref<1xf32, #tpu.memory_space<smem>>
    %sub3A = arith.constant 0.000000e+00 : f32
    %sub3A_62 = vector.broadcast %sub3A : f32 to vector<1x16000xf32>
    %sub3A_63 = arith.subf %div3A, %sub3A_62 : vector<1x16000xf32>
    %mul3A_64 = vector.broadcast %get3A_47 : vector<32x1xf32> to vector<32x16000xf32>
    %mul3A_65 = vector.broadcast %sub3A_63 : vector<1x16000xf32> to vector<32x16000xf32>
    %mul3A_66 = arith.mulf %mul3A_64, %mul3A_65 : vector<32x16000xf32>
    %add3A_67 = vector.broadcast %get3A_50 : vector<32x1xf32> to vector<32x16000xf32>
    %add3A_68 = arith.addf %mul3A_66, %add3A_67 : vector<32x16000xf32>
    %ge3A = arith.constant 0.000000e+00 : f32
    %ge3A_69 = vector.broadcast %ge3A : f32 to vector<32x16000xf32>
    %ge3A_70 = arith.cmpf oge, %add3A_68, %ge3A_69 : vector<32x16000xf32>
    %mul3A_71 = arith.constant 1.000000e-01 : f32
    %mul3A_72 = vector.broadcast %mul3A_71 : f32 to vector<32x16000xf32>
    %mul3A_73 = arith.mulf %mul3A_72, %add3A_68 : vector<32x16000xf32>
    %select_n3A_74 = arith.select %ge3A_70, %add3A_68, %mul3A_73 : vector<32x16000xi1>, vector<32x16000xf32>
    %convert_element_type3A_75 = arith.truncf %get3A_53 : vector<32x32xf32> to vector<32x32xbf16>
    %convert_element_type3A_76 = arith.truncf %select_n3A_74 : vector<32x16000xf32> to vector<32x16000xbf16>
    %dot_general3A = arith.constant dense<0.000000e+00> : vector<32x16000xf32>
    %dot_general3A_77 = tpu.matmul %convert_element_type3A_75, %convert_element_type3A_76, %dot_general3A {dimension_numbers = #tpu.dot_dimension_numbers<[1], [0], [0], [1], [0, 0, 1, 1], [], []>, transpose_lhs_hint = false} : vector<32x32xbf16>, vector<32x16000xbf16>, vector<32x16000xf32> -> vector<32x16000xf32>
    %add3A_78 = vector.broadcast %get3A_56 : vector<32x1xf32> to vector<32x16000xf32>
    %add3A_79 = arith.addf %dot_general3A_77, %add3A_78 : vector<32x16000xf32>
    %ge3A_80 = arith.constant 0.000000e+00 : f32
    %ge3A_81 = vector.broadcast %ge3A_80 : f32 to vector<32x16000xf32>
    %ge3A_82 = arith.cmpf oge, %add3A_79, %ge3A_81 : vector<32x16000xf32>
    %mul3A_83 = arith.constant 1.000000e-01 : f32
    %mul3A_84 = vector.broadcast %mul3A_83 : f32 to vector<32x16000xf32>
    %mul3A_85 = arith.mulf %mul3A_84, %add3A_79 : vector<32x16000xf32>
    %select_n3A_86 = arith.select %ge3A_82, %add3A_79, %mul3A_85 : vector<32x16000xi1>, vector<32x16000xf32>
    %mul3A_87 = vector.broadcast %get3A_59 : vector<32x1xf32> to vector<32x16000xf32>
    %mul3A_88 = arith.mulf %mul3A_87, %select_n3A_86 : vector<32x16000xf32>
    %reduce_sum3A = arith.constant dense<0.000000e+00> : vector<16000xf32>
    %reduce_sum3A_89 = vector.multi_reduction <add>, %mul3A_88, %reduce_sum3A [0] : vector<32x16000xf32> to vector<16000xf32>
    %broadcast_in_dim3A_90 = vector.shape_cast %reduce_sum3A_89 : vector<16000xf32> to vector<1x16000xf32>
    %add3A_91 = vector.broadcast %get3A_61 : f32 to vector<1x16000xf32>
    %add3A_92 = arith.addf %broadcast_in_dim3A_90, %add3A_91 : vector<1x16000xf32>
    %mul3A_93 = arith.mulf %div3A, %add3A_92 : vector<1x16000xf32>
    %swap3A = arith.constant 0 : index
    %swap3A_94 = arith.constant 0 : index
    %swap3A_95 = vector.load %arg9[%swap3A, %swap3A_94] : memref<9x16000xf32, #tpu.memory_space<vmem>>, vector<1x16000xf32>
    tpu.vector_store %arg9[%swap3A, %swap3A_94], %mul3A_93 {strides = array<i32>} : memref<9x16000xf32, #tpu.memory_space<vmem>>, vector<1x16000xf32>,
    %add3A_96 = arith.constant 0.000000e+00 : f32
    %add3A_97 = vector.broadcast %add3A_96 : f32 to vector<1x16000xf32>
    %add3A_98 = arith.addf %add3A_44, %add3A_97 : vector<1x16000xf32>
    %convert_element_type3A_99 = arith.fptosi %add3A_98 : vector<1x16000xf32> to vector<1x16000xi32>
    %jit3A = arith.constant 0 : i32
    %jit3A_100 = arith.constant 6477119 : i32
    %max3A = vector.broadcast %jit3A : i32 to vector<1x16000xi32>
    %max3A_101 = arith.maxsi %max3A, %convert_element_type3A_99 : vector<1x16000xi32>
    %min3A = vector.broadcast %jit3A_100 : i32 to vector<1x16000xi32>
    %min3A_102 = arith.minsi %min3A, %max3A_101 : vector<1x16000xi32>
    %mul3A_103 = arith.constant 1619280 : i32
    %mul3A_104 = vector.broadcast %mul3A_103 : i32 to vector<1x16000xi32>
    %mul3A_105 = arith.muli %mul3A_104, %convert_element_type3A : vector<1x16000xi32>
    %sub3A_106 = arith.subi %min3A_102, %mul3A_105 : vector<1x16000xi32>
    %jit3A_107 = arith.constant 0 : i32
    %jit3A_108 = arith.constant 1619279 : i32
    %max3A_109 = vector.broadcast %jit3A_107 : i32 to vector<1x16000xi32>
    %max3A_110 = arith.maxsi %max3A_109, %sub3A_106 : vector<1x16000xi32>
    %min3A_111 = vector.broadcast %jit3A_108 : i32 to vector<1x16000xi32>
    %min3A_112 = arith.minsi %min3A_111, %max3A_110 : vector<1x16000xi32>
    %swap3A_113 = arith.constant 0 : index
    %swap3A_114 = arith.constant 0 : index
    %swap3A_115 = vector.load %arg10[%swap3A_113, %swap3A_114] : memref<9x16000xi32, #tpu.memory_space<vmem>>, vector<1x16000xi32>
    tpu.vector_store %arg10[%swap3A_113, %swap3A_114], %min3A_112 {strides = array<i32>} : memref<9x16000xi32, #tpu.memory_space<vmem>>, vector<1x16000xi32>,
    %sub3A_116 = arith.constant 1.250000e-01 : f32
    %sub3A_117 = vector.broadcast %sub3A_116 : f32 to vector<1x16000xf32>
    %sub3A_118 = arith.subf %div3A, %sub3A_117 : vector<1x16000xf32>
    %mul3A_119 = vector.broadcast %get3A_47 : vector<32x1xf32> to vector<32x16000xf32>
    %mul3A_120 = vector.broadcast %sub3A_118 : vector<1x16000xf32> to vector<32x16000xf32>
    %mul3A_121 = arith.mulf %mul3A_119, %mul3A_120 : vector<32x16000xf32>
    %add3A_122 = vector.broadcast %get3A_50 : vector<32x1xf32> to vector<32x16000xf32>
    %add3A_123 = arith.addf %mul3A_121, %add3A_122 : vector<32x16000xf32>
    %ge3A_124 = arith.constant 0.000000e+00 : f32
    %ge3A_125 = vector.broadcast %ge3A_124 : f32 to vector<32x16000xf32>
    %ge3A_126 = arith.cmpf oge, %add3A_123, %ge3A_125 : vector<32x16000xf32>
    %mul3A_127 = arith.constant 1.000000e-01 : f32
    %mul3A_128 = vector.broadcast %mul3A_127 : f32 to vector<32x16000xf32>
    %mul3A_129 = arith.mulf %mul3A_128, %add3A_123 : vector<32x16000xf32>
    %select_n3A_130 = arith.select %ge3A_126, %add3A_123, %mul3A_129 : vector<32x16000xi1>, vector<32x16000xf32>
    %convert_element_type3A_131 = arith.truncf %get3A_53 : vector<32x32xf32> to vector<32x32xbf16>
    %convert_element_type3A_132 = arith.truncf %select_n3A_130 : vector<32x16000xf32> to vector<32x16000xbf16>
    %dot_general3A_133 = arith.constant dense<0.000000e+00> : vector<32x16000xf32>
    %dot_general3A_134 = tpu.matmul %convert_element_type3A_131, %convert_element_type3A_132, %dot_general3A_133 {dimension_numbers = #tpu.dot_dimension_numbers<[1], [0], [0], [1], [0, 0, 1, 1], [], []>, transpose_lhs_hint = false} : vector<32x32xbf16>, vector<32x16000xbf16>, vector<32x16000xf32> -> vector<32x16000xf32>
    %add3A_135 = vector.broadcast %get3A_56 : vector<32x1xf32> to vector<32x16000xf32>
    %add3A_136 = arith.addf %dot_general3A_134, %add3A_135 : vector<32x16000xf32>
    %ge3A_137 = arith.constant 0.000000e+00 : f32
    %ge3A_138 = vector.broadcast %ge3A_137 : f32 to vector<32x16000xf32>
    %ge3A_139 = arith.cmpf oge, %add3A_136, %ge3A_138 : vector<32x16000xf32>
    %mul3A_140 = arith.constant 1.000000e-01 : f32
    %mul3A_141 = vector.broadcast %mul3A_140 : f32 to vector<32x16000xf32>
    %mul3A_142 = arith.mulf %mul3A_141, %add3A_136 : vector<32x16000xf32>
    %select_n3A_143 = arith.select %ge3A_139, %add3A_136, %mul3A_142 : vector<32x16000xi1>, vector<32x16000xf32>
    %mul3A_144 = vector.broadcast %get3A_59 : vector<32x1xf32> to vector<32x16000xf32>
    %mul3A_145 = arith.mulf %mul3A_144, %select_n3A_143 : vector<32x16000xf32>
    %reduce_sum3A_146 = arith.constant dense<0.000000e+00> : vector<16000xf32>
    %reduce_sum3A_147 = vector.multi_reduction <add>, %mul3A_145, %reduce_sum3A_146 [0] : vector<32x16000xf32> to vector<16000xf32>
    %broadcast_in_dim3A_148 = vector.shape_cast %reduce_sum3A_147 : vector<16000xf32> to vector<1x16000xf32>
    %add3A_149 = vector.broadcast %get3A_61 : f32 to vector<1x16000xf32>
    %add3A_150 = arith.addf %broadcast_in_dim3A_148, %add3A_149 : vector<1x16000xf32>
    %mul3A_151 = arith.mulf %div3A, %add3A_150 : vector<1x16000xf32>
    %swap3A_152 = arith.constant 1 : index
    %swap3A_153 = arith.constant 0 : index
    %swap3A_154 = vector.load %arg9[%swap3A_152, %swap3A_153] : memref<9x16000xf32, #tpu.memory_space<vmem>>, vector<1x16000xf32>
    tpu.vector_store %arg9[%swap3A_152, %swap3A_153], %mul3A_151 {strides = array<i32>} : memref<9x16000xf32, #tpu.memory_space<vmem>>, vector<1x16000xf32>,
    %add3A_155 = arith.constant 8.996000e+04 : f32
    %add3A_156 = vector.broadcast %add3A_155 : f32 to vector<1x16000xf32>
    %add3A_157 = arith.addf %add3A_44, %add3A_156 : vector<1x16000xf32>
    %convert_element_type3A_158 = arith.fptosi %add3A_157 : vector<1x16000xf32> to vector<1x16000xi32>
    %jit3A_159 = arith.constant 0 : i32
    %jit3A_160 = arith.constant 6477119 : i32
    %max3A_161 = vector.broadcast %jit3A_159 : i32 to vector<1x16000xi32>
    %max3A_162 = arith.maxsi %max3A_161, %convert_element_type3A_158 : vector<1x16000xi32>
    %min3A_163 = vector.broadcast %jit3A_160 : i32 to vector<1x16000xi32>
    %min3A_164 = arith.minsi %min3A_163, %max3A_162 : vector<1x16000xi32>
    %mul3A_165 = arith.constant 1619280 : i32
    %mul3A_166 = vector.broadcast %mul3A_165 : i32 to vector<1x16000xi32>
    %mul3A_167 = arith.muli %mul3A_166, %convert_element_type3A : vector<1x16000xi32>
    %sub3A_168 = arith.subi %min3A_164, %mul3A_167 : vector<1x16000xi32>
    %jit3A_169 = arith.constant 0 : i32
    %jit3A_170 = arith.constant 1619279 : i32
    %max3A_171 = vector.broadcast %jit3A_169 : i32 to vector<1x16000xi32>
    %max3A_172 = arith.maxsi %max3A_171, %sub3A_168 : vector<1x16000xi32>
    %min3A_173 = vector.broadcast %jit3A_170 : i32 to vector<1x16000xi32>
    %min3A_174 = arith.minsi %min3A_173, %max3A_172 : vector<1x16000xi32>
    %swap3A_175 = arith.constant 1 : index
    %swap3A_176 = arith.constant 0 : index
    %swap3A_177 = vector.load %arg10[%swap3A_175, %swap3A_176] : memref<9x16000xi32, #tpu.memory_space<vmem>>, vector<1x16000xi32>
    tpu.vector_store %arg10[%swap3A_175, %swap3A_176], %min3A_174 {strides = array<i32>} : memref<9x16000xi32, #tpu.memory_space<vmem>>, vector<1x16000xi32>,
    %sub3A_178 = arith.constant 2.500000e-01 : f32
    %sub3A_179 = vector.broadcast %sub3A_178 : f32 to vector<1x16000xf32>
    %sub3A_180 = arith.subf %div3A, %sub3A_179 : vector<1x16000xf32>
    %mul3A_181 = vector.broadcast %get3A_47 : vector<32x1xf32> to vector<32x16000xf32>
    %mul3A_182 = vector.broadcast %sub3A_180 : vector<1x16000xf32> to vector<32x16000xf32>
    %mul3A_183 = arith.mulf %mul3A_181, %mul3A_182 : vector<32x16000xf32>
    %add3A_184 = vector.broadcast %get3A_50 : vector<32x1xf32> to vector<32x16000xf32>
    %add3A_185 = arith.addf %mul3A_183, %add3A_184 : vector<32x16000xf32>
    %ge3A_186 = arith.constant 0.000000e+00 : f32
    %ge3A_187 = vector.broadcast %ge3A_186 : f32 to vector<32x16000xf32>
    %ge3A_188 = arith.cmpf oge, %add3A_185, %ge3A_187 : vector<32x16000xf32>
    %mul3A_189 = arith.constant 1.000000e-01 : f32
    %mul3A_190 = vector.broadcast %mul3A_189 : f32 to vector<32x16000xf32>
    %mul3A_191 = arith.mulf %mul3A_190, %add3A_185 : vector<32x16000xf32>
    %select_n3A_192 = arith.select %ge3A_188, %add3A_185, %mul3A_191 : vector<32x16000xi1>, vector<32x16000xf32>
    %convert_element_type3A_193 = arith.truncf %get3A_53 : vector<32x32xf32> to vector<32x32xbf16>
    %convert_element_type3A_194 = arith.truncf %select_n3A_192 : vector<32x16000xf32> to vector<32x16000xbf16>
    %dot_general3A_195 = arith.constant dense<0.000000e+00> : vector<32x16000xf32>
    %dot_general3A_196 = tpu.matmul %convert_element_type3A_193, %convert_element_type3A_194, %dot_general3A_195 {dimension_numbers = #tpu.dot_dimension_numbers<[1], [0], [0], [1], [0, 0, 1, 1], [], []>, transpose_lhs_hint = false} : vector<32x32xbf16>, vector<32x16000xbf16>, vector<32x16000xf32> -> vector<32x16000xf32>
    %add3A_197 = vector.broadcast %get3A_56 : vector<32x1xf32> to vector<32x16000xf32>
    %add3A_198 = arith.addf %dot_general3A_196, %add3A_197 : vector<32x16000xf32>
    %ge3A_199 = arith.constant 0.000000e+00 : f32
    %ge3A_200 = vector.broadcast %ge3A_199 : f32 to vector<32x16000xf32>
    %ge3A_201 = arith.cmpf oge, %add3A_198, %ge3A_200 : vector<32x16000xf32>
    %mul3A_202 = arith.constant 1.000000e-01 : f32
    %mul3A_203 = vector.broadcast %mul3A_202 : f32 to vector<32x16000xf32>
    %mul3A_204 = arith.mulf %mul3A_203, %add3A_198 : vector<32x16000xf32>
    %select_n3A_205 = arith.select %ge3A_201, %add3A_198, %mul3A_204 : vector<32x16000xi1>, vector<32x16000xf32>
    %mul3A_206 = vector.broadcast %get3A_59 : vector<32x1xf32> to vector<32x16000xf32>
    %mul3A_207 = arith.mulf %mul3A_206, %select_n3A_205 : vector<32x16000xf32>
    %reduce_sum3A_208 = arith.constant dense<0.000000e+00> : vector<16000xf32>
    %reduce_sum3A_209 = vector.multi_reduction <add>, %mul3A_207, %reduce_sum3A_208 [0] : vector<32x16000xf32> to vector<16000xf32>
    %broadcast_in_dim3A_210 = vector.shape_cast %reduce_sum3A_209 : vector<16000xf32> to vector<1x16000xf32>
    %add3A_211 = vector.broadcast %get3A_61 : f32 to vector<1x16000xf32>
    %add3A_212 = arith.addf %broadcast_in_dim3A_210, %add3A_211 : vector<1x16000xf32>
    %mul3A_213 = arith.mulf %div3A, %add3A_212 : vector<1x16000xf32>
    %swap3A_214 = arith.constant 2 : index
    %swap3A_215 = arith.constant 0 : index
    %swap3A_216 = vector.load %arg9[%swap3A_214, %swap3A_215] : memref<9x16000xf32, #tpu.memory_space<vmem>>, vector<1x16000xf32>
    tpu.vector_store %arg9[%swap3A_214, %swap3A_215], %mul3A_213 {strides = array<i32>} : memref<9x16000xf32, #tpu.memory_space<vmem>>, vector<1x16000xf32>,
    %add3A_217 = arith.constant 1.799200e+05 : f32
    %add3A_218 = vector.broadcast %add3A_217 : f32 to vector<1x16000xf32>
    %add3A_219 = arith.addf %add3A_44, %add3A_218 : vector<1x16000xf32>
    %convert_element_type3A_220 = arith.fptosi %add3A_219 : vector<1x16000xf32> to vector<1x16000xi32>
    %jit3A_221 = arith.constant 0 : i32
    %jit3A_222 = arith.constant 6477119 : i32
    %max3A_223 = vector.broadcast %jit3A_221 : i32 to vector<1x16000xi32>
    %max3A_224 = arith.maxsi %max3A_223, %convert_element_type3A_220 : vector<1x16000xi32>
    %min3A_225 = vector.broadcast %jit3A_222 : i32 to vector<1x16000xi32>
    %min3A_226 = arith.minsi %min3A_225, %max3A_224 : vector<1x16000xi32>
    %mul3A_227 = arith.constant 1619280 : i32
    %mul3A_228 = vector.broadcast %mul3A_227 : i32 to vector<1x16000xi32>
    %mul3A_229 = arith.muli %mul3A_228, %convert_element_type3A : vector<1x16000xi32>
    %sub3A_230 = arith.subi %min3A_226, %mul3A_229 : vector<1x16000xi32>
    %jit3A_231 = arith.constant 0 : i32
    %jit3A_232 = arith.constant 1619279 : i32
    %max3A_233 = vector.broadcast %jit3A_231 : i32 to vector<1x16000xi32>
    %max3A_234 = arith.maxsi %max3A_233, %sub3A_230 : vector<1x16000xi32>
    %min3A_235 = vector.broadcast %jit3A_232 : i32 to vector<1x16000xi32>
    %min3A_236 = arith.minsi %min3A_235, %max3A_234 : vector<1x16000xi32>
    %swap3A_237 = arith.constant 2 : index
    %swap3A_238 = arith.constant 0 : index
    %swap3A_239 = vector.load %arg10[%swap3A_237, %swap3A_238] : memref<9x16000xi32, #tpu.memory_space<vmem>>, vector<1x16000xi32>
    tpu.vector_store %arg10[%swap3A_237, %swap3A_238], %min3A_236 {strides = array<i32>} : memref<9x16000xi32, #tpu.memory_space<vmem>>, vector<1x16000xi32>,
    %sub3A_240 = arith.constant 3.750000e-01 : f32
    %sub3A_241 = vector.broadcast %sub3A_240 : f32 to vector<1x16000xf32>
    %sub3A_242 = arith.subf %div3A, %sub3A_241 : vector<1x16000xf32>
    %mul3A_243 = vector.broadcast %get3A_47 : vector<32x1xf32> to vector<32x16000xf32>
    %mul3A_244 = vector.broadcast %sub3A_242 : vector<1x16000xf32> to vector<32x16000xf32>
    %mul3A_245 = arith.mulf %mul3A_243, %mul3A_244 : vector<32x16000xf32>
    %add3A_246 = vector.broadcast %get3A_50 : vector<32x1xf32> to vector<32x16000xf32>
    %add3A_247 = arith.addf %mul3A_245, %add3A_246 : vector<32x16000xf32>
    %ge3A_248 = arith.constant 0.000000e+00 : f32
    %ge3A_249 = vector.broadcast %ge3A_248 : f32 to vector<32x16000xf32>
    %ge3A_250 = arith.cmpf oge, %add3A_247, %ge3A_249 : vector<32x16000xf32>
    %mul3A_251 = arith.constant 1.000000e-01 : f32
    %mul3A_252 = vector.broadcast %mul3A_251 : f32 to vector<32x16000xf32>
    %mul3A_253 = arith.mulf %mul3A_252, %add3A_247 : vector<32x16000xf32>
    %select_n3A_254 = arith.select %ge3A_250, %add3A_247, %mul3A_253 : vector<32x16000xi1>, vector<32x16000xf32>
    %convert_element_type3A_255 = arith.truncf %get3A_53 : vector<32x32xf32> to vector<32x32xbf16>
    %convert_element_type3A_256 = arith.truncf %select_n3A_254 : vector<32x16000xf32> to vector<32x16000xbf16>
    %dot_general3A_257 = arith.constant dense<0.000000e+00> : vector<32x16000xf32>
    %dot_general3A_258 = tpu.matmul %convert_element_type3A_255, %convert_element_type3A_256, %dot_general3A_257 {dimension_numbers = #tpu.dot_dimension_numbers<[1], [0], [0], [1], [0, 0, 1, 1], [], []>, transpose_lhs_hint = false} : vector<32x32xbf16>, vector<32x16000xbf16>, vector<32x16000xf32> -> vector<32x16000xf32>
    %add3A_259 = vector.broadcast %get3A_56 : vector<32x1xf32> to vector<32x16000xf32>
    %add3A_260 = arith.addf %dot_general3A_258, %add3A_259 : vector<32x16000xf32>
    %ge3A_261 = arith.constant 0.000000e+00 : f32
    %ge3A_262 = vector.broadcast %ge3A_261 : f32 to vector<32x16000xf32>
    %ge3A_263 = arith.cmpf oge, %add3A_260, %ge3A_262 : vector<32x16000xf32>
    %mul3A_264 = arith.constant 1.000000e-01 : f32
    %mul3A_265 = vector.broadcast %mul3A_264 : f32 to vector<32x16000xf32>
    %mul3A_266 = arith.mulf %mul3A_265, %add3A_260 : vector<32x16000xf32>
    %select_n3A_267 = arith.select %ge3A_263, %add3A_260, %mul3A_266 : vector<32x16000xi1>, vector<32x16000xf32>
    %mul3A_268 = vector.broadcast %get3A_59 : vector<32x1xf32> to vector<32x16000xf32>
    %mul3A_269 = arith.mulf %mul3A_268, %select_n3A_267 : vector<32x16000xf32>
    %reduce_sum3A_270 = arith.constant dense<0.000000e+00> : vector<16000xf32>
    %reduce_sum3A_271 = vector.multi_reduction <add>, %mul3A_269, %reduce_sum3A_270 [0] : vector<32x16000xf32> to vector<16000xf32>
    %broadcast_in_dim3A_272 = vector.shape_cast %reduce_sum3A_271 : vector<16000xf32> to vector<1x16000xf32>
    %add3A_273 = vector.broadcast %get3A_61 : f32 to vector<1x16000xf32>
    %add3A_274 = arith.addf %broadcast_in_dim3A_272, %add3A_273 : vector<1x16000xf32>
    %mul3A_275 = arith.mulf %div3A, %add3A_274 : vector<1x16000xf32>
    %swap3A_276 = arith.constant 3 : index
    %swap3A_277 = arith.constant 0 : index
    %swap3A_278 = vector.load %arg9[%swap3A_276, %swap3A_277] : memref<9x16000xf32, #tpu.memory_space<vmem>>, vector<1x16000xf32>
    tpu.vector_store %arg9[%swap3A_276, %swap3A_277], %mul3A_275 {strides = array<i32>} : memref<9x16000xf32, #tpu.memory_space<vmem>>, vector<1x16000xf32>,
    %add3A_279 = arith.constant 2.698800e+05 : f32
    %add3A_280 = vector.broadcast %add3A_279 : f32 to vector<1x16000xf32>
    %add3A_281 = arith.addf %add3A_44, %add3A_280 : vector<1x16000xf32>
    %convert_element_type3A_282 = arith.fptosi %add3A_281 : vector<1x16000xf32> to vector<1x16000xi32>
    %jit3A_283 = arith.constant 0 : i32
    %jit3A_284 = arith.constant 6477119 : i32
    %max3A_285 = vector.broadcast %jit3A_283 : i32 to vector<1x16000xi32>
    %max3A_286 = arith.maxsi %max3A_285, %convert_element_type3A_282 : vector<1x16000xi32>
    %min3A_287 = vector.broadcast %jit3A_284 : i32 to vector<1x16000xi32>
    %min3A_288 = arith.minsi %min3A_287, %max3A_286 : vector<1x16000xi32>
    %mul3A_289 = arith.constant 1619280 : i32
    %mul3A_290 = vector.broadcast %mul3A_289 : i32 to vector<1x16000xi32>
    %mul3A_291 = arith.muli %mul3A_290, %convert_element_type3A : vector<1x16000xi32>
    %sub3A_292 = arith.subi %min3A_288, %mul3A_291 : vector<1x16000xi32>
    %jit3A_293 = arith.constant 0 : i32
    %jit3A_294 = arith.constant 1619279 : i32
    %max3A_295 = vector.broadcast %jit3A_293 : i32 to vector<1x16000xi32>
    %max3A_296 = arith.maxsi %max3A_295, %sub3A_292 : vector<1x16000xi32>
    %min3A_297 = vector.broadcast %jit3A_294 : i32 to vector<1x16000xi32>
    %min3A_298 = arith.minsi %min3A_297, %max3A_296 : vector<1x16000xi32>
    %swap3A_299 = arith.constant 3 : index
    %swap3A_300 = arith.constant 0 : index
    %swap3A_301 = vector.load %arg10[%swap3A_299, %swap3A_300] : memref<9x16000xi32, #tpu.memory_space<vmem>>, vector<1x16000xi32>
    tpu.vector_store %arg10[%swap3A_299, %swap3A_300], %min3A_298 {strides = array<i32>} : memref<9x16000xi32, #tpu.memory_space<vmem>>, vector<1x16000xi32>,
    %sub3A_302 = arith.constant 5.000000e-01 : f32
    %sub3A_303 = vector.broadcast %sub3A_302 : f32 to vector<1x16000xf32>
    %sub3A_304 = arith.subf %div3A, %sub3A_303 : vector<1x16000xf32>
    %mul3A_305 = vector.broadcast %get3A_47 : vector<32x1xf32> to vector<32x16000xf32>
    %mul3A_306 = vector.broadcast %sub3A_304 : vector<1x16000xf32> to vector<32x16000xf32>
    %mul3A_307 = arith.mulf %mul3A_305, %mul3A_306 : vector<32x16000xf32>
    %add3A_308 = vector.broadcast %get3A_50 : vector<32x1xf32> to vector<32x16000xf32>
    %add3A_309 = arith.addf %mul3A_307, %add3A_308 : vector<32x16000xf32>
    %ge3A_310 = arith.constant 0.000000e+00 : f32
    %ge3A_311 = vector.broadcast %ge3A_310 : f32 to vector<32x16000xf32>
    %ge3A_312 = arith.cmpf oge, %add3A_309, %ge3A_311 : vector<32x16000xf32>
    %mul3A_313 = arith.constant 1.000000e-01 : f32
    %mul3A_314 = vector.broadcast %mul3A_313 : f32 to vector<32x16000xf32>
    %mul3A_315 = arith.mulf %mul3A_314, %add3A_309 : vector<32x16000xf32>
    %select_n3A_316 = arith.select %ge3A_312, %add3A_309, %mul3A_315 : vector<32x16000xi1>, vector<32x16000xf32>
    %convert_element_type3A_317 = arith.truncf %get3A_53 : vector<32x32xf32> to vector<32x32xbf16>
    %convert_element_type3A_318 = arith.truncf %select_n3A_316 : vector<32x16000xf32> to vector<32x16000xbf16>
    %dot_general3A_319 = arith.constant dense<0.000000e+00> : vector<32x16000xf32>
    %dot_general3A_320 = tpu.matmul %convert_element_type3A_317, %convert_element_type3A_318, %dot_general3A_319 {dimension_numbers = #tpu.dot_dimension_numbers<[1], [0], [0], [1], [0, 0, 1, 1], [], []>, transpose_lhs_hint = false} : vector<32x32xbf16>, vector<32x16000xbf16>, vector<32x16000xf32> -> vector<32x16000xf32>
    %add3A_321 = vector.broadcast %get3A_56 : vector<32x1xf32> to vector<32x16000xf32>
    %add3A_322 = arith.addf %dot_general3A_320, %add3A_321 : vector<32x16000xf32>
    %ge3A_323 = arith.constant 0.000000e+00 : f32
    %ge3A_324 = vector.broadcast %ge3A_323 : f32 to vector<32x16000xf32>
    %ge3A_325 = arith.cmpf oge, %add3A_322, %ge3A_324 : vector<32x16000xf32>
    %mul3A_326 = arith.constant 1.000000e-01 : f32
    %mul3A_327 = vector.broadcast %mul3A_326 : f32 to vector<32x16000xf32>
    %mul3A_328 = arith.mulf %mul3A_327, %add3A_322 : vector<32x16000xf32>
    %select_n3A_329 = arith.select %ge3A_325, %add3A_322, %mul3A_328 : vector<32x16000xi1>, vector<32x16000xf32>
    %mul3A_330 = vector.broadcast %get3A_59 : vector<32x1xf32> to vector<32x16000xf32>
    %mul3A_331 = arith.mulf %mul3A_330, %select_n3A_329 : vector<32x16000xf32>
    %reduce_sum3A_332 = arith.constant dense<0.000000e+00> : vector<16000xf32>
    %reduce_sum3A_333 = vector.multi_reduction <add>, %mul3A_331, %reduce_sum3A_332 [0] : vector<32x16000xf32> to vector<16000xf32>
    %broadcast_in_dim3A_334 = vector.shape_cast %reduce_sum3A_333 : vector<16000xf32> to vector<1x16000xf32>
    %add3A_335 = vector.broadcast %get3A_61 : f32 to vector<1x16000xf32>
    %add3A_336 = arith.addf %broadcast_in_dim3A_334, %add3A_335 : vector<1x16000xf32>
    %mul3A_337 = arith.mulf %div3A, %add3A_336 : vector<1x16000xf32>
    %swap3A_338 = arith.constant 4 : index
    %swap3A_339 = arith.constant 0 : index
    %swap3A_340 = vector.load %arg9[%swap3A_338, %swap3A_339] : memref<9x16000xf32, #tpu.memory_space<vmem>>, vector<1x16000xf32>
    tpu.vector_store %arg9[%swap3A_338, %swap3A_339], %mul3A_337 {strides = array<i32>} : memref<9x16000xf32, #tpu.memory_space<vmem>>, vector<1x16000xf32>,
    %add3A_341 = arith.constant 3.598400e+05 : f32
    %add3A_342 = vector.broadcast %add3A_341 : f32 to vector<1x16000xf32>
    %add3A_343 = arith.addf %add3A_44, %add3A_342 : vector<1x16000xf32>
    %convert_element_type3A_344 = arith.fptosi %add3A_343 : vector<1x16000xf32> to vector<1x16000xi32>
    %jit3A_345 = arith.constant 0 : i32
    %jit3A_346 = arith.constant 6477119 : i32
    %max3A_347 = vector.broadcast %jit3A_345 : i32 to vector<1x16000xi32>
    %max3A_348 = arith.maxsi %max3A_347, %convert_element_type3A_344 : vector<1x16000xi32>
    %min3A_349 = vector.broadcast %jit3A_346 : i32 to vector<1x16000xi32>
    %min3A_350 = arith.minsi %min3A_349, %max3A_348 : vector<1x16000xi32>
    %mul3A_351 = arith.constant 1619280 : i32
    %mul3A_352 = vector.broadcast %mul3A_351 : i32 to vector<1x16000xi32>
    %mul3A_353 = arith.muli %mul3A_352, %convert_element_type3A : vector<1x16000xi32>
    %sub3A_354 = arith.subi %min3A_350, %mul3A_353 : vector<1x16000xi32>
    %jit3A_355 = arith.constant 0 : i32
    %jit3A_356 = arith.constant 1619279 : i32
    %max3A_357 = vector.broadcast %jit3A_355 : i32 to vector<1x16000xi32>
    %max3A_358 = arith.maxsi %max3A_357, %sub3A_354 : vector<1x16000xi32>
    %min3A_359 = vector.broadcast %jit3A_356 : i32 to vector<1x16000xi32>
    %min3A_360 = arith.minsi %min3A_359, %max3A_358 : vector<1x16000xi32>
    %swap3A_361 = arith.constant 4 : index
    %swap3A_362 = arith.constant 0 : index
    %swap3A_363 = vector.load %arg10[%swap3A_361, %swap3A_362] : memref<9x16000xi32, #tpu.memory_space<vmem>>, vector<1x16000xi32>
    tpu.vector_store %arg10[%swap3A_361, %swap3A_362], %min3A_360 {strides = array<i32>} : memref<9x16000xi32, #tpu.memory_space<vmem>>, vector<1x16000xi32>,
    %sub3A_364 = arith.constant 6.250000e-01 : f32
    %sub3A_365 = vector.broadcast %sub3A_364 : f32 to vector<1x16000xf32>
    %sub3A_366 = arith.subf %div3A, %sub3A_365 : vector<1x16000xf32>
    %mul3A_367 = vector.broadcast %get3A_47 : vector<32x1xf32> to vector<32x16000xf32>
    %mul3A_368 = vector.broadcast %sub3A_366 : vector<1x16000xf32> to vector<32x16000xf32>
    %mul3A_369 = arith.mulf %mul3A_367, %mul3A_368 : vector<32x16000xf32>
    %add3A_370 = vector.broadcast %get3A_50 : vector<32x1xf32> to vector<32x16000xf32>
    %add3A_371 = arith.addf %mul3A_369, %add3A_370 : vector<32x16000xf32>
    %ge3A_372 = arith.constant 0.000000e+00 : f32
    %ge3A_373 = vector.broadcast %ge3A_372 : f32 to vector<32x16000xf32>
    %ge3A_374 = arith.cmpf oge, %add3A_371, %ge3A_373 : vector<32x16000xf32>
    %mul3A_375 = arith.constant 1.000000e-01 : f32
    %mul3A_376 = vector.broadcast %mul3A_375 : f32 to vector<32x16000xf32>
    %mul3A_377 = arith.mulf %mul3A_376, %add3A_371 : vector<32x16000xf32>
    %select_n3A_378 = arith.select %ge3A_374, %add3A_371, %mul3A_377 : vector<32x16000xi1>, vector<32x16000xf32>
    %convert_element_type3A_379 = arith.truncf %get3A_53 : vector<32x32xf32> to vector<32x32xbf16>
    %convert_element_type3A_380 = arith.truncf %select_n3A_378 : vector<32x16000xf32> to vector<32x16000xbf16>
    %dot_general3A_381 = arith.constant dense<0.000000e+00> : vector<32x16000xf32>
    %dot_general3A_382 = tpu.matmul %convert_element_type3A_379, %convert_element_type3A_380, %dot_general3A_381 {dimension_numbers = #tpu.dot_dimension_numbers<[1], [0], [0], [1], [0, 0, 1, 1], [], []>, transpose_lhs_hint = false} : vector<32x32xbf16>, vector<32x16000xbf16>, vector<32x16000xf32> -> vector<32x16000xf32>
    %add3A_383 = vector.broadcast %get3A_56 : vector<32x1xf32> to vector<32x16000xf32>
    %add3A_384 = arith.addf %dot_general3A_382, %add3A_383 : vector<32x16000xf32>
    %ge3A_385 = arith.constant 0.000000e+00 : f32
    %ge3A_386 = vector.broadcast %ge3A_385 : f32 to vector<32x16000xf32>
    %ge3A_387 = arith.cmpf oge, %add3A_384, %ge3A_386 : vector<32x16000xf32>
    %mul3A_388 = arith.constant 1.000000e-01 : f32
    %mul3A_389 = vector.broadcast %mul3A_388 : f32 to vector<32x16000xf32>
    %mul3A_390 = arith.mulf %mul3A_389, %add3A_384 : vector<32x16000xf32>
    %select_n3A_391 = arith.select %ge3A_387, %add3A_384, %mul3A_390 : vector<32x16000xi1>, vector<32x16000xf32>
    %mul3A_392 = vector.broadcast %get3A_59 : vector<32x1xf32> to vector<32x16000xf32>
    %mul3A_393 = arith.mulf %mul3A_392, %select_n3A_391 : vector<32x16000xf32>
    %reduce_sum3A_394 = arith.constant dense<0.000000e+00> : vector<16000xf32>
    %reduce_sum3A_395 = vector.multi_reduction <add>, %mul3A_393, %reduce_sum3A_394 [0] : vector<32x16000xf32> to vector<16000xf32>
    %broadcast_in_dim3A_396 = vector.shape_cast %reduce_sum3A_395 : vector<16000xf32> to vector<1x16000xf32>
    %add3A_397 = vector.broadcast %get3A_61 : f32 to vector<1x16000xf32>
    %add3A_398 = arith.addf %broadcast_in_dim3A_396, %add3A_397 : vector<1x16000xf32>
    %mul3A_399 = arith.mulf %div3A, %add3A_398 : vector<1x16000xf32>
    %swap3A_400 = arith.constant 5 : index
    %swap3A_401 = arith.constant 0 : index
    %swap3A_402 = vector.load %arg9[%swap3A_400, %swap3A_401] : memref<9x16000xf32, #tpu.memory_space<vmem>>, vector<1x16000xf32>
    tpu.vector_store %arg9[%swap3A_400, %swap3A_401], %mul3A_399 {strides = array<i32>} : memref<9x16000xf32, #tpu.memory_space<vmem>>, vector<1x16000xf32>,
    %add3A_403 = arith.constant 4.498000e+05 : f32
    %add3A_404 = vector.broadcast %add3A_403 : f32 to vector<1x16000xf32>
    %add3A_405 = arith.addf %add3A_44, %add3A_404 : vector<1x16000xf32>
    %convert_element_type3A_406 = arith.fptosi %add3A_405 : vector<1x16000xf32> to vector<1x16000xi32>
    %jit3A_407 = arith.constant 0 : i32
    %jit3A_408 = arith.constant 6477119 : i32
    %max3A_409 = vector.broadcast %jit3A_407 : i32 to vector<1x16000xi32>
    %max3A_410 = arith.maxsi %max3A_409, %convert_element_type3A_406 : vector<1x16000xi32>
    %min3A_411 = vector.broadcast %jit3A_408 : i32 to vector<1x16000xi32>
    %min3A_412 = arith.minsi %min3A_411, %max3A_410 : vector<1x16000xi32>
    %mul3A_413 = arith.constant 1619280 : i32
    %mul3A_414 = vector.broadcast %mul3A_413 : i32 to vector<1x16000xi32>
    %mul3A_415 = arith.muli %mul3A_414, %convert_element_type3A : vector<1x16000xi32>
    %sub3A_416 = arith.subi %min3A_412, %mul3A_415 : vector<1x16000xi32>
    %jit3A_417 = arith.constant 0 : i32
    %jit3A_418 = arith.constant 1619279 : i32
    %max3A_419 = vector.broadcast %jit3A_417 : i32 to vector<1x16000xi32>
    %max3A_420 = arith.maxsi %max3A_419, %sub3A_416 : vector<1x16000xi32>
    %min3A_421 = vector.broadcast %jit3A_418 : i32 to vector<1x16000xi32>
    %min3A_422 = arith.minsi %min3A_421, %max3A_420 : vector<1x16000xi32>
    %swap3A_423 = arith.constant 5 : index
    %swap3A_424 = arith.constant 0 : index
    %swap3A_425 = vector.load %arg10[%swap3A_423, %swap3A_424] : memref<9x16000xi32, #tpu.memory_space<vmem>>, vector<1x16000xi32>
    tpu.vector_store %arg10[%swap3A_423, %swap3A_424], %min3A_422 {strides = array<i32>} : memref<9x16000xi32, #tpu.memory_space<vmem>>, vector<1x16000xi32>,
    %sub3A_426 = arith.constant 7.500000e-01 : f32
    %sub3A_427 = vector.broadcast %sub3A_426 : f32 to vector<1x16000xf32>
    %sub3A_428 = arith.subf %div3A, %sub3A_427 : vector<1x16000xf32>
    %mul3A_429 = vector.broadcast %get3A_47 : vector<32x1xf32> to vector<32x16000xf32>
    %mul3A_430 = vector.broadcast %sub3A_428 : vector<1x16000xf32> to vector<32x16000xf32>
    %mul3A_431 = arith.mulf %mul3A_429, %mul3A_430 : vector<32x16000xf32>
    %add3A_432 = vector.broadcast %get3A_50 : vector<32x1xf32> to vector<32x16000xf32>
    %add3A_433 = arith.addf %mul3A_431, %add3A_432 : vector<32x16000xf32>
    %ge3A_434 = arith.constant 0.000000e+00 : f32
    %ge3A_435 = vector.broadcast %ge3A_434 : f32 to vector<32x16000xf32>
    %ge3A_436 = arith.cmpf oge, %add3A_433, %ge3A_435 : vector<32x16000xf32>
    %mul3A_437 = arith.constant 1.000000e-01 : f32
    %mul3A_438 = vector.broadcast %mul3A_437 : f32 to vector<32x16000xf32>
    %mul3A_439 = arith.mulf %mul3A_438, %add3A_433 : vector<32x16000xf32>
    %select_n3A_440 = arith.select %ge3A_436, %add3A_433, %mul3A_439 : vector<32x16000xi1>, vector<32x16000xf32>
    %convert_element_type3A_441 = arith.truncf %get3A_53 : vector<32x32xf32> to vector<32x32xbf16>
    %convert_element_type3A_442 = arith.truncf %select_n3A_440 : vector<32x16000xf32> to vector<32x16000xbf16>
    %dot_general3A_443 = arith.constant dense<0.000000e+00> : vector<32x16000xf32>
    %dot_general3A_444 = tpu.matmul %convert_element_type3A_441, %convert_element_type3A_442, %dot_general3A_443 {dimension_numbers = #tpu.dot_dimension_numbers<[1], [0], [0], [1], [0, 0, 1, 1], [], []>, transpose_lhs_hint = false} : vector<32x32xbf16>, vector<32x16000xbf16>, vector<32x16000xf32> -> vector<32x16000xf32>
    %add3A_445 = vector.broadcast %get3A_56 : vector<32x1xf32> to vector<32x16000xf32>
    %add3A_446 = arith.addf %dot_general3A_444, %add3A_445 : vector<32x16000xf32>
    %ge3A_447 = arith.constant 0.000000e+00 : f32
    %ge3A_448 = vector.broadcast %ge3A_447 : f32 to vector<32x16000xf32>
    %ge3A_449 = arith.cmpf oge, %add3A_446, %ge3A_448 : vector<32x16000xf32>
    %mul3A_450 = arith.constant 1.000000e-01 : f32
    %mul3A_451 = vector.broadcast %mul3A_450 : f32 to vector<32x16000xf32>
    %mul3A_452 = arith.mulf %mul3A_451, %add3A_446 : vector<32x16000xf32>
    %select_n3A_453 = arith.select %ge3A_449, %add3A_446, %mul3A_452 : vector<32x16000xi1>, vector<32x16000xf32>
    %mul3A_454 = vector.broadcast %get3A_59 : vector<32x1xf32> to vector<32x16000xf32>
    %mul3A_455 = arith.mulf %mul3A_454, %select_n3A_453 : vector<32x16000xf32>
    %reduce_sum3A_456 = arith.constant dense<0.000000e+00> : vector<16000xf32>
    %reduce_sum3A_457 = vector.multi_reduction <add>, %mul3A_455, %reduce_sum3A_456 [0] : vector<32x16000xf32> to vector<16000xf32>
    %broadcast_in_dim3A_458 = vector.shape_cast %reduce_sum3A_457 : vector<16000xf32> to vector<1x16000xf32>
    %add3A_459 = vector.broadcast %get3A_61 : f32 to vector<1x16000xf32>
    %add3A_460 = arith.addf %broadcast_in_dim3A_458, %add3A_459 : vector<1x16000xf32>
    %mul3A_461 = arith.mulf %div3A, %add3A_460 : vector<1x16000xf32>
    %swap3A_462 = arith.constant 6 : index
    %swap3A_463 = arith.constant 0 : index
    %swap3A_464 = vector.load %arg9[%swap3A_462, %swap3A_463] : memref<9x16000xf32, #tpu.memory_space<vmem>>, vector<1x16000xf32>
    tpu.vector_store %arg9[%swap3A_462, %swap3A_463], %mul3A_461 {strides = array<i32>} : memref<9x16000xf32, #tpu.memory_space<vmem>>, vector<1x16000xf32>,
    %add3A_465 = arith.constant 5.397600e+05 : f32
    %add3A_466 = vector.broadcast %add3A_465 : f32 to vector<1x16000xf32>
    %add3A_467 = arith.addf %add3A_44, %add3A_466 : vector<1x16000xf32>
    %convert_element_type3A_468 = arith.fptosi %add3A_467 : vector<1x16000xf32> to vector<1x16000xi32>
    %jit3A_469 = arith.constant 0 : i32
    %jit3A_470 = arith.constant 6477119 : i32
    %max3A_471 = vector.broadcast %jit3A_469 : i32 to vector<1x16000xi32>
    %max3A_472 = arith.maxsi %max3A_471, %convert_element_type3A_468 : vector<1x16000xi32>
    %min3A_473 = vector.broadcast %jit3A_470 : i32 to vector<1x16000xi32>
    %min3A_474 = arith.minsi %min3A_473, %max3A_472 : vector<1x16000xi32>
    %mul3A_475 = arith.constant 1619280 : i32
    %mul3A_476 = vector.broadcast %mul3A_475 : i32 to vector<1x16000xi32>
    %mul3A_477 = arith.muli %mul3A_476, %convert_element_type3A : vector<1x16000xi32>
    %sub3A_478 = arith.subi %min3A_474, %mul3A_477 : vector<1x16000xi32>
    %jit3A_479 = arith.constant 0 : i32
    %jit3A_480 = arith.constant 1619279 : i32
    %max3A_481 = vector.broadcast %jit3A_479 : i32 to vector<1x16000xi32>
    %max3A_482 = arith.maxsi %max3A_481, %sub3A_478 : vector<1x16000xi32>
    %min3A_483 = vector.broadcast %jit3A_480 : i32 to vector<1x16000xi32>
    %min3A_484 = arith.minsi %min3A_483, %max3A_482 : vector<1x16000xi32>
    %swap3A_485 = arith.constant 6 : index
    %swap3A_486 = arith.constant 0 : index
    %swap3A_487 = vector.load %arg10[%swap3A_485, %swap3A_486] : memref<9x16000xi32, #tpu.memory_space<vmem>>, vector<1x16000xi32>
    tpu.vector_store %arg10[%swap3A_485, %swap3A_486], %min3A_484 {strides = array<i32>} : memref<9x16000xi32, #tpu.memory_space<vmem>>, vector<1x16000xi32>,
    %sub3A_488 = arith.constant 8.750000e-01 : f32
    %sub3A_489 = vector.broadcast %sub3A_488 : f32 to vector<1x16000xf32>
    %sub3A_490 = arith.subf %div3A, %sub3A_489 : vector<1x16000xf32>
    %mul3A_491 = vector.broadcast %get3A_47 : vector<32x1xf32> to vector<32x16000xf32>
    %mul3A_492 = vector.broadcast %sub3A_490 : vector<1x16000xf32> to vector<32x16000xf32>
    %mul3A_493 = arith.mulf %mul3A_491, %mul3A_492 : vector<32x16000xf32>
    %add3A_494 = vector.broadcast %get3A_50 : vector<32x1xf32> to vector<32x16000xf32>
    %add3A_495 = arith.addf %mul3A_493, %add3A_494 : vector<32x16000xf32>
    %ge3A_496 = arith.constant 0.000000e+00 : f32
    %ge3A_497 = vector.broadcast %ge3A_496 : f32 to vector<32x16000xf32>
    %ge3A_498 = arith.cmpf oge, %add3A_495, %ge3A_497 : vector<32x16000xf32>
    %mul3A_499 = arith.constant 1.000000e-01 : f32
    %mul3A_500 = vector.broadcast %mul3A_499 : f32 to vector<32x16000xf32>
    %mul3A_501 = arith.mulf %mul3A_500, %add3A_495 : vector<32x16000xf32>
    %select_n3A_502 = arith.select %ge3A_498, %add3A_495, %mul3A_501 : vector<32x16000xi1>, vector<32x16000xf32>
    %convert_element_type3A_503 = arith.truncf %get3A_53 : vector<32x32xf32> to vector<32x32xbf16>
    %convert_element_type3A_504 = arith.truncf %select_n3A_502 : vector<32x16000xf32> to vector<32x16000xbf16>
    %dot_general3A_505 = arith.constant dense<0.000000e+00> : vector<32x16000xf32>
    %dot_general3A_506 = tpu.matmul %convert_element_type3A_503, %convert_element_type3A_504, %dot_general3A_505 {dimension_numbers = #tpu.dot_dimension_numbers<[1], [0], [0], [1], [0, 0, 1, 1], [], []>, transpose_lhs_hint = false} : vector<32x32xbf16>, vector<32x16000xbf16>, vector<32x16000xf32> -> vector<32x16000xf32>
    %add3A_507 = vector.broadcast %get3A_56 : vector<32x1xf32> to vector<32x16000xf32>
    %add3A_508 = arith.addf %dot_general3A_506, %add3A_507 : vector<32x16000xf32>
    %ge3A_509 = arith.constant 0.000000e+00 : f32
    %ge3A_510 = vector.broadcast %ge3A_509 : f32 to vector<32x16000xf32>
    %ge3A_511 = arith.cmpf oge, %add3A_508, %ge3A_510 : vector<32x16000xf32>
    %mul3A_512 = arith.constant 1.000000e-01 : f32
    %mul3A_513 = vector.broadcast %mul3A_512 : f32 to vector<32x16000xf32>
    %mul3A_514 = arith.mulf %mul3A_513, %add3A_508 : vector<32x16000xf32>
    %select_n3A_515 = arith.select %ge3A_511, %add3A_508, %mul3A_514 : vector<32x16000xi1>, vector<32x16000xf32>
    %mul3A_516 = vector.broadcast %get3A_59 : vector<32x1xf32> to vector<32x16000xf32>
    %mul3A_517 = arith.mulf %mul3A_516, %select_n3A_515 : vector<32x16000xf32>
    %reduce_sum3A_518 = arith.constant dense<0.000000e+00> : vector<16000xf32>
    %reduce_sum3A_519 = vector.multi_reduction <add>, %mul3A_517, %reduce_sum3A_518 [0] : vector<32x16000xf32> to vector<16000xf32>
    %broadcast_in_dim3A_520 = vector.shape_cast %reduce_sum3A_519 : vector<16000xf32> to vector<1x16000xf32>
    %add3A_521 = vector.broadcast %get3A_61 : f32 to vector<1x16000xf32>
    %add3A_522 = arith.addf %broadcast_in_dim3A_520, %add3A_521 : vector<1x16000xf32>
    %mul3A_523 = arith.mulf %div3A, %add3A_522 : vector<1x16000xf32>
    %swap3A_524 = arith.constant 7 : index
    %swap3A_525 = arith.constant 0 : index
    %swap3A_526 = vector.load %arg9[%swap3A_524, %swap3A_525] : memref<9x16000xf32, #tpu.memory_space<vmem>>, vector<1x16000xf32>
    tpu.vector_store %arg9[%swap3A_524, %swap3A_525], %mul3A_523 {strides = array<i32>} : memref<9x16000xf32, #tpu.memory_space<vmem>>, vector<1x16000xf32>,
    %add3A_527 = arith.constant 6.297200e+05 : f32
    %add3A_528 = vector.broadcast %add3A_527 : f32 to vector<1x16000xf32>
    %add3A_529 = arith.addf %add3A_44, %add3A_528 : vector<1x16000xf32>
    %convert_element_type3A_530 = arith.fptosi %add3A_529 : vector<1x16000xf32> to vector<1x16000xi32>
    %jit3A_531 = arith.constant 0 : i32
    %jit3A_532 = arith.constant 6477119 : i32
    %max3A_533 = vector.broadcast %jit3A_531 : i32 to vector<1x16000xi32>
    %max3A_534 = arith.maxsi %max3A_533, %convert_element_type3A_530 : vector<1x16000xi32>
    %min3A_535 = vector.broadcast %jit3A_532 : i32 to vector<1x16000xi32>
    %min3A_536 = arith.minsi %min3A_535, %max3A_534 : vector<1x16000xi32>
    %mul3A_537 = arith.constant 1619280 : i32
    %mul3A_538 = vector.broadcast %mul3A_537 : i32 to vector<1x16000xi32>
    %mul3A_539 = arith.muli %mul3A_538, %convert_element_type3A : vector<1x16000xi32>
    %sub3A_540 = arith.subi %min3A_536, %mul3A_539 : vector<1x16000xi32>
    %jit3A_541 = arith.constant 0 : i32
    %jit3A_542 = arith.constant 1619279 : i32
    %max3A_543 = vector.broadcast %jit3A_541 : i32 to vector<1x16000xi32>
    %max3A_544 = arith.maxsi %max3A_543, %sub3A_540 : vector<1x16000xi32>
    %min3A_545 = vector.broadcast %jit3A_542 : i32 to vector<1x16000xi32>
    %min3A_546 = arith.minsi %min3A_545, %max3A_544 : vector<1x16000xi32>
    %swap3A_547 = arith.constant 7 : index
    %swap3A_548 = arith.constant 0 : index
    %swap3A_549 = vector.load %arg10[%swap3A_547, %swap3A_548] : memref<9x16000xi32, #tpu.memory_space<vmem>>, vector<1x16000xi32>
    tpu.vector_store %arg10[%swap3A_547, %swap3A_548], %min3A_546 {strides = array<i32>} : memref<9x16000xi32, #tpu.memory_space<vmem>>, vector<1x16000xi32>,
    %sub3A_550 = arith.constant 1.000000e+00 : f32
    %sub3A_551 = vector.broadcast %sub3A_550 : f32 to vector<1x16000xf32>
    %sub3A_552 = arith.subf %div3A, %sub3A_551 : vector<1x16000xf32>
    %mul3A_553 = vector.broadcast %get3A_47 : vector<32x1xf32> to vector<32x16000xf32>
    %mul3A_554 = vector.broadcast %sub3A_552 : vector<1x16000xf32> to vector<32x16000xf32>
    %mul3A_555 = arith.mulf %mul3A_553, %mul3A_554 : vector<32x16000xf32>
    %add3A_556 = vector.broadcast %get3A_50 : vector<32x1xf32> to vector<32x16000xf32>
    %add3A_557 = arith.addf %mul3A_555, %add3A_556 : vector<32x16000xf32>
    %ge3A_558 = arith.constant 0.000000e+00 : f32
    %ge3A_559 = vector.broadcast %ge3A_558 : f32 to vector<32x16000xf32>
    %ge3A_560 = arith.cmpf oge, %add3A_557, %ge3A_559 : vector<32x16000xf32>
    %mul3A_561 = arith.constant 1.000000e-01 : f32
    %mul3A_562 = vector.broadcast %mul3A_561 : f32 to vector<32x16000xf32>
    %mul3A_563 = arith.mulf %mul3A_562, %add3A_557 : vector<32x16000xf32>
    %select_n3A_564 = arith.select %ge3A_560, %add3A_557, %mul3A_563 : vector<32x16000xi1>, vector<32x16000xf32>
    %convert_element_type3A_565 = arith.truncf %get3A_53 : vector<32x32xf32> to vector<32x32xbf16>
    %convert_element_type3A_566 = arith.truncf %select_n3A_564 : vector<32x16000xf32> to vector<32x16000xbf16>
    %dot_general3A_567 = arith.constant dense<0.000000e+00> : vector<32x16000xf32>
    %dot_general3A_568 = tpu.matmul %convert_element_type3A_565, %convert_element_type3A_566, %dot_general3A_567 {dimension_numbers = #tpu.dot_dimension_numbers<[1], [0], [0], [1], [0, 0, 1, 1], [], []>, transpose_lhs_hint = false} : vector<32x32xbf16>, vector<32x16000xbf16>, vector<32x16000xf32> -> vector<32x16000xf32>
    %add3A_569 = vector.broadcast %get3A_56 : vector<32x1xf32> to vector<32x16000xf32>
    %add3A_570 = arith.addf %dot_general3A_568, %add3A_569 : vector<32x16000xf32>
    %ge3A_571 = arith.constant 0.000000e+00 : f32
    %ge3A_572 = vector.broadcast %ge3A_571 : f32 to vector<32x16000xf32>
    %ge3A_573 = arith.cmpf oge, %add3A_570, %ge3A_572 : vector<32x16000xf32>
    %mul3A_574 = arith.constant 1.000000e-01 : f32
    %mul3A_575 = vector.broadcast %mul3A_574 : f32 to vector<32x16000xf32>
    %mul3A_576 = arith.mulf %mul3A_575, %add3A_570 : vector<32x16000xf32>
    %select_n3A_577 = arith.select %ge3A_573, %add3A_570, %mul3A_576 : vector<32x16000xi1>, vector<32x16000xf32>
    %mul3A_578 = vector.broadcast %get3A_59 : vector<32x1xf32> to vector<32x16000xf32>
    %mul3A_579 = arith.mulf %mul3A_578, %select_n3A_577 : vector<32x16000xf32>
    %reduce_sum3A_580 = arith.constant dense<0.000000e+00> : vector<16000xf32>
    %reduce_sum3A_581 = vector.multi_reduction <add>, %mul3A_579, %reduce_sum3A_580 [0] : vector<32x16000xf32> to vector<16000xf32>
    %broadcast_in_dim3A_582 = vector.shape_cast %reduce_sum3A_581 : vector<16000xf32> to vector<1x16000xf32>
    %add3A_583 = vector.broadcast %get3A_61 : f32 to vector<1x16000xf32>
    %add3A_584 = arith.addf %broadcast_in_dim3A_582, %add3A_583 : vector<1x16000xf32>
    %mul3A_585 = arith.mulf %div3A, %add3A_584 : vector<1x16000xf32>
    %swap3A_586 = arith.constant 8 : index
    %swap3A_587 = arith.constant 0 : index
    %swap3A_588 = vector.load %arg9[%swap3A_586, %swap3A_587] : memref<9x16000xf32, #tpu.memory_space<vmem>>, vector<1x16000xf32>
    tpu.vector_store %arg9[%swap3A_586, %swap3A_587], %mul3A_585 {strides = array<i32>} : memref<9x16000xf32, #tpu.memory_space<vmem>>, vector<1x16000xf32>,
    %add3A_589 = arith.constant 7.196800e+05 : f32
    %add3A_590 = vector.broadcast %add3A_589 : f32 to vector<1x16000xf32>
    %add3A_591 = arith.addf %add3A_44, %add3A_590 : vector<1x16000xf32>
    %convert_element_type3A_592 = arith.fptosi %add3A_591 : vector<1x16000xf32> to vector<1x16000xi32>
    %jit3A_593 = arith.constant 0 : i32
    %jit3A_594 = arith.constant 6477119 : i32
    %max3A_595 = vector.broadcast %jit3A_593 : i32 to vector<1x16000xi32>
    %max3A_596 = arith.maxsi %max3A_595, %convert_element_type3A_592 : vector<1x16000xi32>
    %min3A_597 = vector.broadcast %jit3A_594 : i32 to vector<1x16000xi32>
    %min3A_598 = arith.minsi %min3A_597, %max3A_596 : vector<1x16000xi32>
    %mul3A_599 = arith.constant 1619280 : i32
    %mul3A_600 = vector.broadcast %mul3A_599 : i32 to vector<1x16000xi32>
    %mul3A_601 = arith.muli %mul3A_600, %convert_element_type3A : vector<1x16000xi32>
    %sub3A_602 = arith.subi %min3A_598, %mul3A_601 : vector<1x16000xi32>
    %jit3A_603 = arith.constant 0 : i32
    %jit3A_604 = arith.constant 1619279 : i32
    %max3A_605 = vector.broadcast %jit3A_603 : i32 to vector<1x16000xi32>
    %max3A_606 = arith.maxsi %max3A_605, %sub3A_602 : vector<1x16000xi32>
    %min3A_607 = vector.broadcast %jit3A_604 : i32 to vector<1x16000xi32>
    %min3A_608 = arith.minsi %min3A_607, %max3A_606 : vector<1x16000xi32>
    %swap3A_609 = arith.constant 8 : index
    %swap3A_610 = arith.constant 0 : index
    %swap3A_611 = vector.load %arg10[%swap3A_609, %swap3A_610] : memref<9x16000xi32, #tpu.memory_space<vmem>>, vector<1x16000xi32>
    tpu.vector_store %arg10[%swap3A_609, %swap3A_610], %min3A_608 {strides = array<i32>} : memref<9x16000xi32, #tpu.memory_space<vmem>>, vector<1x16000xi32>,
    return
  }
  func.func @transform_0(%arg0: i32) -> (i32, i32) {
    %c0_i32 = arith.constant 0 : i32
    %c0_i32_0 = arith.constant 0 : i32
    return %c0_i32, %arg0 : i32, i32
  }
  func.func @transform_1(%arg0: i32) -> i32 {
    %c0_i32 = arith.constant 0 : i32
    %c0_i32_0 = arith.constant 0 : i32
    return %c0_i32 : i32
  }
  func.func @transform_2(%arg0: i32) -> i32 {
    %c0_i32 = arith.constant 0 : i32
    %c0_i32_0 = arith.constant 0 : i32
    return %c0_i32 : i32
  }
  func.func @transform_3(%arg0: i32) -> (i32, i32) {
    %c0_i32 = arith.constant 0 : i32
    %c0_i32_0 = arith.constant 0 : i32
    %c0_i32_1 = arith.constant 0 : i32
    return %c0_i32, %c0_i32_0 : i32, i32
  }
  func.func @transform_4(%arg0: i32) -> (i32, i32) {
    %c0_i32 = arith.constant 0 : i32
    %c0_i32_0 = arith.constant 0 : i32
    %c0_i32_1 = arith.constant 0 : i32
    return %c0_i32, %c0_i32_0 : i32, i32
  }
  func.func @transform_5(%arg0: i32) -> (i32, i32) {
    %c0_i32 = arith.constant 0 : i32
    %c0_i32_0 = arith.constant 0 : i32
    %c0_i32_1 = arith.constant 0 : i32
    return %c0_i32, %c0_i32_0 : i32, i32
  }
  func.func @transform_6(%arg0: i32) -> (i32, i32) {
    %c0_i32 = arith.constant 0 : i32
    %c0_i32_0 = arith.constant 0 : i32
    %c0_i32_1 = arith.constant 0 : i32
    return %c0_i32, %c0_i32_0 : i32, i32
  }
  func.func @transform_7(%arg0: i32) -> (i32, i32) {
    %c0_i32 = arith.constant 0 : i32
    %c0_i32_0 = arith.constant 0 : i32
    %c0_i32_1 = arith.constant 0 : i32
    return %c0_i32, %c0_i32_0 : i32, i32
  }
  func.func @transform_8(%arg0: i32) -> (i32, i32) {
    %c0_i32 = arith.constant 0 : i32
    %c0_i32_0 = arith.constant 0 : i32
    return %c0_i32, %arg0 : i32, i32
  }
  func.func @transform_9(%arg0: i32) -> (i32, i32) {
    %c0_i32 = arith.constant 0 : i32
    %c0_i32_0 = arith.constant 0 : i32
    return %c0_i32, %arg0 : i32, i32
  }
}

module attributes {stable_mosaic.version = 14 : i64} {
  func.func @_resize_body(%arg0: i32, %arg1: memref<1x260x346xf32, #tpu.memory_space<vmem>>, %arg2: memref<480x260xf32, #tpu.memory_space<vmem>>, %arg3: memref<346x640xf32, #tpu.memory_space<vmem>>, %arg4: memref<1x640x640xf32, #tpu.memory_space<vmem>>) attributes {dimension_semantics = [#tpu.dimension_semantics<arbitrary>], iteration_bounds = array<i64: 72>, scalar_prefetch = 0 : i64, scratch_operands = 0 : i64, tpu.core_type = #tpu.core_type<tc>, window_params = [{transform_indices = @transform_0, window_bounds = array<i64: 1, 260, 346>}, {pipeline_mode = #tpu.pipeline_mode<synchronous>, transform_indices = @transform_1, window_bounds = array<i64: 480, 260>}, {pipeline_mode = #tpu.pipeline_mode<synchronous>, transform_indices = @transform_2, window_bounds = array<i64: 346, 640>}, {transform_indices = @transform_3, window_bounds = array<i64: 1, 640, 640>}]} {
    %get3A = arith.constant 0 : index
    %get3A_0 = arith.constant 0 : index
    %get3A_1 = arith.constant 0 : index
    %get3A_2 = vector.load %arg1[%get3A, %get3A_0, %get3A_1] : memref<1x260x346xf32, #tpu.memory_space<vmem>>, vector<1x260x346xf32>
    %get3A_3 = vector.shape_cast %get3A_2 : vector<1x260x346xf32> to vector<260x346xf32>
    %get3A_4 = arith.constant 0 : index
    %get3A_5 = arith.constant 0 : index
    %get3A_6 = vector.load %arg2[%get3A_4, %get3A_5] : memref<480x260xf32, #tpu.memory_space<vmem>>, vector<480x260xf32>
    %dot_general3A = arith.constant dense<0.000000e+00> : vector<480x346xf32>
    %dot_general3A_7 = tpu.matmul %get3A_6, %get3A_3, %dot_general3A {dimension_numbers = #tpu.dot_dimension_numbers<[1], [0], [0], [1], [0, 0, 1, 1], [], []>, transpose_lhs_hint = false} : vector<480x260xf32>, vector<260x346xf32>, vector<480x346xf32> -> vector<480x346xf32>
    %get3A_8 = arith.constant 0 : index
    %get3A_9 = arith.constant 0 : index
    %get3A_10 = vector.load %arg3[%get3A_8, %get3A_9] : memref<346x640xf32, #tpu.memory_space<vmem>>, vector<346x640xf32>
    %dot_general3A_11 = arith.constant dense<0.000000e+00> : vector<480x640xf32>
    %dot_general3A_12 = tpu.matmul %dot_general3A_7, %get3A_10, %dot_general3A_11 {dimension_numbers = #tpu.dot_dimension_numbers<[1], [0], [0], [1], [0, 0, 1, 1], [], []>, transpose_lhs_hint = false} : vector<480x346xf32>, vector<346x640xf32>, vector<480x640xf32> -> vector<480x640xf32>
    %broadcast_in_dim3A = arith.constant 1.140000e+02 : f32
    %broadcast_in_dim3A_13 = vector.broadcast %broadcast_in_dim3A : f32 to vector<80x640xf32>
    %concatenate3A = tpu.concatenate %broadcast_in_dim3A_13, %dot_general3A_12, %broadcast_in_dim3A_13 in 0 : vector<80x640xf32>, vector<480x640xf32>, vector<80x640xf32> -> vector<640x640xf32>
    %swap3A = arith.constant 0 : index
    %swap3A_14 = arith.constant 0 : index
    %swap3A_15 = arith.constant 0 : index
    %swap3A_16 = vector.load %arg4[%swap3A, %swap3A_14, %swap3A_15] : memref<1x640x640xf32, #tpu.memory_space<vmem>>, vector<1x640x640xf32>
    %swap3A_17 = vector.shape_cast %swap3A_16 : vector<1x640x640xf32> to vector<640x640xf32>
    %swap3A_18 = vector.shape_cast %concatenate3A : vector<640x640xf32> to vector<1x640x640xf32>
    tpu.vector_store %arg4[%swap3A, %swap3A_14, %swap3A_15], %swap3A_18 {strides = array<i32>} : memref<1x640x640xf32, #tpu.memory_space<vmem>>, vector<1x640x640xf32>,
    return
  }
  func.func @transform_0(%arg0: i32) -> (i32, i32, i32) {
    %c0_i32 = arith.constant 0 : i32
    %c0_i32_0 = arith.constant 0 : i32
    %c0_i32_1 = arith.constant 0 : i32
    return %arg0, %c0_i32, %c0_i32_0 : i32, i32, i32
  }
  func.func @transform_1(%arg0: i32) -> (i32, i32) {
    %c0_i32 = arith.constant 0 : i32
    %c0_i32_0 = arith.constant 0 : i32
    %c0_i32_1 = arith.constant 0 : i32
    return %c0_i32, %c0_i32_0 : i32, i32
  }
  func.func @transform_2(%arg0: i32) -> (i32, i32) {
    %c0_i32 = arith.constant 0 : i32
    %c0_i32_0 = arith.constant 0 : i32
    %c0_i32_1 = arith.constant 0 : i32
    return %c0_i32, %c0_i32_0 : i32, i32
  }
  func.func @transform_3(%arg0: i32) -> (i32, i32, i32) {
    %c0_i32 = arith.constant 0 : i32
    %c0_i32_0 = arith.constant 0 : i32
    %c0_i32_1 = arith.constant 0 : i32
    return %arg0, %c0_i32, %c0_i32_0 : i32, i32, i32
  }
}

</mosaic_0001>

<sc_bundles>
// kernel: kernel.6.cloned.1.call-start
scs
__scs_entry_jumppad:
0x0: {  	(pc) =	sbr.rel $0x88, $3  }
0x1: {  	(tag) =	ssettag $0x0;
	lr =	simm.s32 $0x1  }
0x2: {  	[smem:$0x3F9A] =	sst lr;
	_ =	strace $0xD0000000  }
0x3: {  	_ = 	snop  }
0x4: {  	_ = 	snop  }
0x5: {  	_ = 	snop  }
0x6: {  	_ = 	snop  }
0x7: {  	_ = 	snop  }
__scs_overlays_trampoline_lowered:
0x8: {  	[smem:$0x3FA9] =	sst s0  }
0x9: {  	[smem:$0x3FAA] =	sst s1  }
0xa: {  	[smem:$0x3FAB] =	sst s2  }
0xb: {  	[smem:$0x3FAC] =	sst s3  }
0xc: {  	[smem:$0x3FAD] =	sst s4  }
0xd: {  	[smem:$0x3FAE] =	sst s5  }
0xe: {  	[smem:$0x3FAF] =	sst s6  }
0xf: {  	[smem:$0x3FB0] =	sst s7  }
0x10: {  	[smem:$0x3FB1] =	sst s8  }
0x11: {  	[smem:$0x3FB2] =	sst s9;
	s0 =	simm.s32 @!p0 $0x0  }
0x12: {  	s1 =	sld [smem:$0x3F98];
	s0 =	simm.s32 @p0 $0x1  }
0x13: {  	[smem:$0x3FB3] =	sst s0;
	s0 =	simm.s32 @!p1 $0x0  }
0x14: {  	s2 =	sld [smem:$0x3F97];
	s0 =	simm.s32 @p1 $0x1  }
0x15: {  	[smem:$0x3FB4] =	sst s0;
	s0 =	simm.s32 @!p2 $0x0  }
0x16: {  	s3 =	sld [smem:$0x3FDB];
	s0 =	simm.s32 @p2 $0x1  }
0x17: {  	s4 =	simm.s32 $0x1BF5;
	[smem:$0x3FB6] =	sst s0  }
0x18: {  	s0 =	sld [smem:$0x3F99];
	_ =	swait.ge [sflag:s4], $0x0  }
0x19: {  	s7 =	sld [smem:$0x3F9A]  }
0x1a: {  	s8 =	sadd.s32 $0xFFFFE003, lr  }
0x1b: {  	s9 =	sadd.s32 $0xFFFFFEF7, lr;
	s5 =	simm.s32 $0xFFFFFFFF;
	p2 =	slt.u32 s8, $0xFFFFF086  }
0x1c: {  	p1 =	slt.u32 s9, $0xF7A;
	s5 =	simm.s32 @!p2 $0x0  }
0x1d: {  	s5 =	simm.s32 @p1 $0x1;
	p0 =	seq.s32 s7, s2  }
0x1e: {  	s7 =	smul.u32 @!p0 $0xF7A, s2;
	p2 =	seq.s32 @!p0 s5, $0x0  }
0x1f: {  	s9 =	smul.u32 $0xF7A, s1;
	s8 =	simm.s32 @!p0 $0x1BF5;
	p2 =	por !p2, p0  }
0x20: {  	[sflag:s8] =	ssyncset.s32 @!p0 $0xFFFFF086;
	s6 =	sadd.s32 @!p0 s3, s7;
	s7 =	simm.s32 @!p0 $0x108  }
0x21: {  	s3 =	sadd.s32 s3, s9;
	s6 =	sadd.s32 @!p0 $0x88, s6;
	s7 =	simm.s32 @p2 $0x1082  }
0x22: {  	[simem:s7], [sflag:s8] =	dma.local @!p0 [hbm:s6], $0xF7A  }
0x23: {  	s9 =	sor.u32 $0xD0000000, s2;
	s6 =	simm.s32 $0x108;
	_ =	swait.ge @!p0 [sflag:s8], $0x0  }
0x24: {  	s3 =	sadd.s32 $0x88, s3;
	s6 =	simm.s32 @!p1 $0x1082;
	[sflag:s4] =	ssyncset.s32 $0xFFFFF086  }
0x25: {  	[simem:s6], [sflag:s4] =	dma.local [hbm:s3], $0xF7A  }
0x26: {  	[smem:$0x3F9A] =	sst s1;
	(tag) =	ssettag s2;
	_ =	strace s9  }
0x27: {  	s1 =	sld [smem:$0x3FAA]  }
0x28: {  	s2 =	sld [smem:$0x3FAB]  }
0x29: {  	s4 =	sld [smem:$0x3FAD]  }
0x2a: {  	p0 =	seq.s32 s5, $0x0;
	s5 =	sld [smem:$0x3FAE]  }
0x2b: {  	s6 =	sld [smem:$0x3FAF]  }
0x2c: {  	s7 =	sld [smem:$0x3FB0]  }
0x2d: {  	s3 =	simm.s32 $0x108;
	s8 =	sld [smem:$0x3FB1]  }
0x2e: {  	s3 =	simm.s32 @!p0 $0x1082;
	s9 =	sld [smem:$0x3FB2]  }
0x2f: {  	lr =	sadd.s32 s0, s3;
	s0 =	sld [smem:$0x3FA9]  }
0x30: {  	s3 =	sld [smem:$0x3FAC]  }
0x31: {  	[smem:$0x3FB5] =	sst s10  }
0x32: {  	s10 =	sld [smem:$0x3FB3];
	_ =	sdelay $0x3  }
0x33: {  	p0 =	seq.s32 s10, $0x1;
	s10 =	sld [smem:$0x3FB5];
	_ =	sdelay $0x3  }
0x34: {  	[smem:$0x3FB5] =	sst s10  }
0x35: {  	s10 =	sld [smem:$0x3FB4];
	_ =	sdelay $0x3  }
0x36: {  	p1 =	seq.s32 s10, $0x1;
	s10 =	sld [smem:$0x3FB5];
	_ =	sdelay $0x3  }
0x37: {  	[smem:$0x3FB5] =	sst s10  }
0x38: {  	s10 =	sld [smem:$0x3FB6]  }
0x39: {  	_ = 	snop;
	(pc) =	sbr.ind lr, $3  }
0x3a: {  	_ = 	snop  }
0x3b: {  	_ = 	snop  }
0x3c: {  	p2 =	seq.s32 s10, $0x1;
	s10 =	sld [smem:$0x3FB5]  }
0x3d: {  	_ =	shalt  }
0x3e: {  	_ =	shalt  }
0x3f: {  	_ =	shalt  }
0x40: {  	_ =	shalt  }
0x41: {  	_ =	shalt  }
0x42: {  	_ =	shalt  }
0x43: {  	_ =	shalt  }
0x44: {  	_ =	shalt  }
0x45: {  	_ =	shalt  }
0x46: {  	_ =	shalt  }
0x47: {  	_ =	shalt  }
0x48: {  	_ =	shalt  }
0x49: {  	_ =	shalt  }
0x4a: {  	_ =	shalt  }
0x4b: {  	_ =	shalt  }
0x4c: {  	_ =	shalt  }
0x4d: {  	_ =	shalt  }
0x4e: {  	_ =	shalt  }
0x4f: {  	_ =	shalt  }
0x50: {  	_ =	shalt  }
0x51: {  	_ =	shalt  }
0x52: {  	_ =	shalt  }
0x53: {  	_ =	shalt  }
0x54: {  	_ =	shalt  }
0x55: {  	_ =	shalt  }
0x56: {  	_ =	shalt  }
0x57: {  	_ =	shalt  }
0x58: {  	_ =	shalt  }
0x59: {  	_ =	shalt  }
0x5a: {  	_ =	shalt  }
0x5b: {  	_ =	shalt  }
0x5c: {  	_ =	shalt  }
0x5d: {  	_ =	shalt  }
0x5e: {  	_ =	shalt  }
0x5f: {  	_ =	shalt  }
0x60: {  	_ =	shalt  }
0x61: {  	_ =	shalt  }
0x62: {  	_ =	shalt  }
0x63: {  	_ =	shalt  }
0x64: {  	_ =	shalt  }
0x65: {  	_ =	shalt  }
0x66: {  	_ =	shalt  }
0x67: {  	_ =	shalt  }
0x68: {  	_ =	shalt  }
0x69: {  	_ =	shalt  }
0x6a: {  	_ =	shalt  }
0x6b: {  	_ =	shalt  }
0x6c: {  	_ =	shalt  }
0x6d: {  	_ =	shalt  }
0x6e: {  	_ =	shalt  }
0x6f: {  	_ =	shalt  }
0x70: {  	_ =	shalt  }
0x71: {  	_ =	shalt  }
0x72: {  	_ =	shalt  }
0x73: {  	_ =	shalt  }
0x74: {  	_ =	shalt  }
0x75: {  	_ =	shalt  }
0x76: {  	_ =	shalt  }
0x77: {  	_ =	shalt  }
0x78: {  	_ =	shalt  }
0x79: {  	_ =	shalt  }
0x7a: {  	_ =	shalt  }
0x7b: {  	_ =	shalt  }
0x7c: {  	_ =	shalt  }
0x7d: {  	_ =	shalt  }
0x7e: {  	_ =	shalt  }
0x7f: {  	_ =	shalt  }
0x80: {  	_ =	shalt  }
0x81: {  	_ =	shalt  }
0x82: {  	_ =	shalt  }
0x83: {  	_ =	shalt  }
0x84: {  	_ =	shalt  }
0x85: {  	_ =	shalt  }
0x86: {  	_ =	shalt  }
0x87: {  	_ =	shalt  }
.Lfunc_end0:
.L_simem_size_0:
called_computation_lowered:
.L_overlay_start_0:
0x88: {  	s2 =	sld [smem:$0x3FD9]  }
0x89: {  	s3 =	sld [smem:$0x3FFE];
	_ =	sdelay $0x1  }
0x8a: {  	s1 =	srdreg.scid  }
0x8b: {  	s0 =	sand.u32 $0x1, s1  }
0x8c: {  	s17 =	sshll.u32 s0, $0xA;
	s2 =	sadd.s32 s3, s2  }
0x8d: {  	s2 =	sadd.s32 s2, s17  }
0x8e: {  	[smem:$0x3FC1] =	sst s2  }
0x8f: {  	_ = 	snop  }
0x90: {  	s2 =	sld [smem:$0x3FD0];
	(tm) =	ssettm $0x1  }
0x91: {  	s18 =	sld [smem:$0x3FFB];
	_ =	sdelay $0x3  }
0x92: {  	_ =	strace s18  }
0x93: {  	s3 =	sld [smem:$0x3FFC];
	_ =	sdelay $0x3  }
0x94: {  	_ =	strace s3  }
0x95: {  	s3 =	sld [smem:$0x3FFD];
	_ =	sdelay $0x3  }
0x96: {  	_ =	strace s3  }
0x97: {  	_ =	strace $0x8FFFFFFF  }
0x98: {  	s19 =	sld [smem:$0x3FDB];
	_ =	sdelay $0x1  }
0x99: {  	s4 =	simm.s32 $_scs_section_size  }
0x9a: {  	s5 =	simm.s32 $_size__tile_overlayer_lowered;
	s6 =	simm.s32 $_tile_overlayer_lowered  }
0x9b: {  	s22 =	simm.s32 $0x1BFF;
	s21 =	sshll.u32 s6, $0x1;
	s3 =	sadd.s32 s4, s19  }
0x9c: {  	s7 =	simm.s32 $0x0;
	s20 =	sshll.u32 s5, $0x1;
	s5 =	sadd.s32 s21, s3  }
0x9d: {  	[timem:s7], [sflag:s22] =	dma.local [hbm:s5], s20  }
0x9e: {  	_ =	swait.ge [sflag:s22], s20  }
0x9f: {  	s4 =	ssub.s32 $0x0, s20;
	[sflag:s22] =	ssyncset.done $0x0  }
0xa0: {  	[sflag:s22] =	ssyncadd.s32 s4;
	_ =	sdelay $0x1  }
0xa1: {  	s23 =	simm.s32 $0x1B8B  }
0xa2: {  	_ =	swait.ge [sflag:s23], $0x1  }
0xa3: {  	[sflag:s23] =	ssyncset.done $0x0  }
0xa4: {  	s25 =	simm.s32 $0x1B8E;
	s24 =	sld [smem:$0x3FFE];
	[sflag:s23] =	ssyncadd.s32 $0xFFFFFFFF  }
0xa5: {  	s26 =	simm.s32 $execute0_lowered;
	[smem:$0x3FD2] =	sst s25  }
0xa6: {  	s5 =	sshll.u32 s26, $0x1;
	_ =	strace $0x80000046;
	[dreg:$0x1] =	wrdreg $0xFFFFFFFF  }
0xa7: {  	s28 =	simm.s32 $_size_execute0_lowered;
	s3 =	sadd.s32 s3, s5;
	[dreg:$0x0] =	wrdreg $0x0  }
0xa8: {  	s5 =	sshll.u32 s28, $0x1;
	[dreg:$0x2] =	wrdreg s3  }
0xa9: {  	[dreg:$0x3] =	wrdreg s5  }
0xaa: {  	[dreg:$0x4] =	wrdreg $0xC0  }
0xab: {  	_ =	task [dreg:s7], $0x5FFFF  }
0xac: {  	[dreg:$0x1] =	wrdreg $0xFFFFFFFF  }
0xad: {  	[dreg:$0x0] =	wrdreg $0x60  }
0xae: {  	[dreg:$0x2] =	wrdreg s2  }
0xaf: {  	[dreg:$0x3] =	wrdreg s24  }
0xb0: {  	[dreg:$0x4] =	wrdreg $0x4F800  }
0xb1: {  	[dreg:$0x5] =	wrdreg $0x9  }
0xb2: {  	_ =	task.clear_ibuf [dreg:s7], $0x6FFFF;
	_ =	strace $0x90000046  }
0xb3: {  	s29 =	simm.s32 $0x9;
	_ =	strace $0x80000048  }
0xb4: {  	_ =	swait.ge [sflag:s29], $0x1  }
0xb5: {  	[sflag:s29] =	ssyncadd.s32 $0xFFFFFFFF  }
0xb6: {  	_ =	strace $0x90000048  }
0xb7: {  	_ =	sfence  }
0xb8: {  	s30 =	sld [smem:$0x0];
	_ =	sdelay $0x2  }
0xb9: {  	s31 =	sshll.u32 s1, $0xD;
	s1 =	sshrl.u32 s1, $0x2  }
0xba: {  	s3 =	sand.u32 $0x4000, s31;
	s1 =	sadd.s32 s1, s30  }
0xbb: {  	s0 =	sor.u32 s3, s0;
	s1 =	sshll.u32 s1, $0x11  }
0xbc: {  	s0 =	sor.u32 s1, s0  }
0xbd: {  	s0 =	sadd.s32 $0x8F2B, s0  }
0xbe: {  	[sflag:s0] =	ssyncadd.remote.s32 $0x1  }
0xbf: {  	_ =	sfence.sel $0xFFFF  }
0xc0: {  	[dreg:$0x0] =	wrdreg $0xFFFFFFFF;
	(pc) =	sbr.abs _section_cstart, $3  }
0xc1: {  	[dreg:$0x1] =	wrdreg $0xFFFFFFFF  }
0xc2: {  	_ =	task.clear_ibuf [dreg:s7], $0x2FFFF;
	_ =	strace $0x9FFFFFFF  }
0xc3: {  	(tm) =	ssettm $0x7FFFFFFF  }
tec
execute0_lowered:
.L_overlay_start_1:
0x0: {  	(tag) =	ssettag $0x1  }
0x1: {  	s1 =	rddreg [dreg:$0x0]  }
0x2: {  	s0 =	rddreg [dreg:$0x1]  }
0x3: {  	s2 =	rddreg [dreg:$0x2]  }
0x4: {  	s3 =	simm.s32 $0x0;
	s4 =	srdreg.scid;
	s5 =	stileid.u32  }
0x5: {  	s17 =	simm.s32 $0x2780;
	s18 =	simm.s32 $0x3;
	s19 =	simm.s32 $0x1  }
0x6: {  	s20 =	simm.s32 $0x2710;
	s21 =	simm.s32 $0x0;
	[smem:$0x7FF] =	sst s3  }
0x7: {  	s15 =	sand.u32 $0x1, s4;
	s4 =	sadd.s32 $0x600, s0;
	s6 =	sadd.s32 $0x200, s0  }
0x8: {  	s0 =	sadd.s32 $0x225C00, s0;
	s13 =	smul.u32 $0x9C40, s5;
	s7 =	ssub.s32 $0x2, s15  }
0x9: {  	_ =	strace $0x80000047;
	s12 =	smul.u32 $0x18B550, s15;
	s8 =	sshrl.u32 s7, $0x1  }
0xa: {  	p0 =	seq.s32 s15, $0x0;
	s11 =	ssub.s32 s7, s8;
	s7 =	smul.u32 $0x2710, s5  }
0xb: {  	s13 =	sshrl.u32 s13, $0x2;
	s9 =	sshrl.u32 s12, $0x3;
	s8 =	sadd.s32 $0x189110, s2  }
0xc: {  	s10 =	sadd.s32 s0, s9;
	s11 =	smax.u32 s11, $0x1;
	s12 =	sadd.s32 s7, s12  }
0xd: {  	s9 =	sadd.s32 $0x31222, s10;
	s10 =	sadd.s32 $0x93F76, s10;
	s16 =	sadd.s32 $0x316AA0, s12  }
0xe: {  	s14 =	sshrl.u32 s12, $0x3;
	s12 =	sadd.s32 s13, s2;
	s31 =	sshrl.u32 s16, $0x3  }
0xf: {  	v0 =	vimm.f32 $0.0e+00;
	v1 =	vlaneseq.u32;
	s13 =	sadd.s32 s14, s0;
	s16 =	simm.s32 $0x2;
	s14 =	sadd.s32 s31, s0  }
.LBB2_1:
0x10: {  	s0 =	simm.s32 $0x4F00  }
0x11: {  	[tilespmem:s0], [sflag:$0x2] =	stream.linear.gather [hbm4b:s6+s3], $0x80, $0x38;
	[tilespmem:$0x1DAD8] =	vst v63  }
0x12: {  	_ =	swait.ge [sflag:s16], $0x80  }
0x13: {  	[sflag:s16] =	ssyncset.done $0x0  }
0x14: {  	[sflag:s16] =	ssyncadd.s32 $0xFFFFFF80  }
0x15: {  	s0 =	simm.s32 $0x0;
	v2 =	vld [tilespmem:$0x4F00]  }
.LBB2_2:
0x16: {  	p1 =	sne.s32 s0, $0x9C00  }
.Ltmp0:
0x17: {  	_ = 	snop;
	(pc) =	sbr.rel @p1 .LBB2_2-.Ltmp0, $3  }
0x18: {  	_ =	sdelay $0x1  }
0x19: {  	s15 =	sshra.s32 s0, $0x2  }
0x1a: {  	s0 =	sadd.s32 $0x40, s0;
	[tilespmem:s15+$0x2780] =	vst v0  }
0x1b: {  	s0 =	sadd.s32 $0xFFFFFF50, s5  }
0x1c: {  	s15 =	sadd.s32 $0xB0, s0  }
0x1d: {  	p1 =	sgt.u32 s15, $0xA0  }
0x1e: {  	p2 =	sne.s32 @p1 s0, $0xFFFFFFF1;
	p1 =	por p1, p1  }
0x1f: {  	p2 =	por p2, !p1  }
0x20: {  	s0 =	simm.s32 @!p2 $0x2780;
	s15 =	simm.s32 @!p2 $0x2  }
0x21: {  	[spmem:s8] =	stream.linear.scatter @!p2 [tilespmem:s0], [sflag:$0x2], $0x2440, $0x38;
	[tilespmem:$0x1DAD8] =	vst v63  }
0x22: {  	_ =	swait.ge @!p2 [sflag:s15], $0x2440  }
0x23: {  	s24 =	simm.s32 @!p1 $0x3;
	[sflag:s15] =	ssyncset.done @!p2 $0x0  }
0x24: {  	s0 =	sadd.s32 $0xFFFFFF60, s5;
	[sflag:s15] =	ssyncadd.s32 @!p2 $0xFFFFDBC0;
	s15 =	simm.s32 @!p1 $0x2780  }
0x25: {  	[spmem:s12] =	stream.linear.scatter @!p1 [tilespmem:s15], [sflag:$0x3], $0x2710, $0x38;
	[tilespmem:$0x1DAD8] =	vst v63  }
0x26: {  	s23 =	simm.s32 $0xFFFFFF70;
	s31 =	sadd.s32 $0xB0, s0;
	_ =	swait.ge @!p1 [sflag:s24], $0x2710  }
0x27: {  	s22 =	sadd.s32 $0x27100, s12;
	p3 =	sgt.u32 s31, $0xA0;
	[sflag:s24] =	ssyncset.done @!p1 $0x0  }
.LBB2_4:
0x28: {  	p4 =	sne.s32 @p3 s0, $0xFFFFFFF1;
	[sflag:s24] =	ssyncadd.s32 @!p1 $0xFFFFD8F0  }
0x29: {  	s0 =	smov.u32 s23;
	s23 =	sadd.s32 $0x10, s23;
	p1 =	por p3, p3  }
0x2a: {  	p2 =	sne.s32 s23, $0x0;
	p3 =	por p4, !p1  }
0x2b: {  	s15 =	simm.s32 @!p3 $0x2780;
	s25 =	simm.s32 @!p3 $0x2  }
0x2c: {  	[spmem:s8] =	stream.linear.scatter @!p3 [tilespmem:s15], [sflag:$0x2], $0x2440, $0x38;
	[tilespmem:$0x1DAD8] =	vst v63  }
0x2d: {  	_ =	swait.ge @!p3 [sflag:s25], $0x2440  }
.Ltmp1:
0x2e: {  	s24 =	simm.s32 @!p1 $0x3;
	[sflag:s25] =	ssyncset.done @!p3 $0x0;
	(pc) =	sbr.rel @p2 .LBB2_4-.Ltmp1, $4  }
0x2f: {  	s0 =	sadd.s32 s0, s5;
	s15 =	simm.s32 @!p1 $0x2780;
	[sflag:s25] =	ssyncadd.s32 @!p3 $0xFFFFDBC0  }
0x30: {  	[spmem:s22] =	stream.linear.scatter @!p1 [tilespmem:s15], [sflag:$0x3], $0x2710, $0x38;
	[tilespmem:$0x1DAD8] =	vst v63  }
0x31: {  	s15 =	sadd.s32 $0xB0, s0;
	_ =	swait.ge @!p1 [sflag:s24], $0x2710  }
0x32: {  	s22 =	sadd.s32 $0x27100, s22;
	p3 =	sgt.u32 s15, $0xA0;
	[sflag:s24] =	ssyncset.done @!p1 $0x0  }
0x33: {  	p4 =	sne.s32 @p3 s0, $0xFFFFFFF1;
	p2 =	por p3, p3  }
0x34: {  	p3 =	por p4, !p2  }
0x35: {  	[sflag:s24] =	ssyncadd.s32 @!p1 $0xFFFFD8F0;
	s0 =	simm.s32 @!p3 $0x2780;
	s15 =	simm.s32 @!p3 $0x2  }
0x36: {  	[spmem:s8] =	stream.linear.scatter @!p3 [tilespmem:s0], [sflag:$0x2], $0x2440, $0x38;
	[tilespmem:$0x1DAD8] =	vst v63  }
0x37: {  	_ =	swait.ge @!p3 [sflag:s15], $0x2440  }
0x38: {  	[sflag:s15] =	ssyncset.done @!p3 $0x0  }
0x39: {  	s0 =	simm.s32 @!p2 $0x3;
	[sflag:s15] =	ssyncadd.s32 @!p3 $0xFFFFDBC0;
	s15 =	simm.s32 @!p2 $0x2780  }
0x3a: {  	[spmem:s22] =	stream.linear.scatter @!p2 [tilespmem:s15], [sflag:$0x3], $0x2710, $0x38;
	[tilespmem:$0x1DAD8] =	vst v63  }
0x3b: {  	_ =	swait.ge @!p2 [sflag:s0], $0x2710  }
0x3c: {  	(v2sf) =	vpush v2, $0x0  }
0x3d: {  	(v2sf) =	vpush v2, $0x1  }
0x3e: {  	(v2sf) =	vpush v2, $0x2;
	_ =	sdelay $0xc  }
0x3f: {  	s15 =	spop (v2sf)  }
.Ltmp2:
0x40: {  	s23 =	spop (v2sf);
	(pc) =	sbr.rel .LBB2_6-.Ltmp2, $4  }
0x41: {  	[sflag:s0] =	ssyncset.done @!p2 $0x0;
	s22 =	spop (v2sf)  }
0x42: {  	[sflag:s0] =	ssyncadd.s32 @!p2 $0xFFFFD8F0;
	s24 =	smov.u32 s22  }
0x43: {  	[bflag:$0x0] =	sbarrier.arrive $0xFFFF;
	s24 =	smov.u32 @p0 s23;
	s23 =	smov.u32 @p0 s15  }
0x44: {  	s25 =	simm.s32 $0x0;
	s26 =	stileid.u32;
	s28 =	smov.u32 s7;
	v3 =	vmov s23;
	v4 =	vmov s24  }
.LBB2_9:
0x45: {  	s31 =	smov.u32 s29  }
.LBB2_14:
0x46: {  	v5 =	vld [tilespmem:s0+$0x2780];
	s15 =	sadd.s32 @p1 $0x10, s31  }
0x47: {  	s29 =	smov.u32 @p1 s15  }
0x48: {  	v6 =	vor.u32 s29, v1  }
0x49: {  	vm0 =	vge.s32 v6, v3;
	vm1 =	vlt.s32 v6, v4  }
0x4a: {  	vm0 =	vmand vm0, vm1  }
0x4b: {  	v5 =	vnsel vm0, $0x0, v5  }
0x4c: {  	[tilespmem:s0+$0x2780] =	vst v5  }
.LBB2_15:
0x4d: {  	[spmem:s2] =	stream.indirect.scatter.add.f32 [tilespmem:s17], [sflag:$0x2], $0x1, s3, s20, $0xb8;
	[tilespmem:$0x1DAD8] =	vst v63  }
0x4e: {  	_ =	swait.ge [sflag:s16], $0x2710  }
0x4f: {  	[sflag:s16] =	ssyncset.done $0x0  }
0x50: {  	[sflag:s16] =	ssyncadd.s32 $0xFFFFD8F0  }
.LBB2_16:
0x51: {  	s25 =	sadd.s32 $0x1, s25  }
0x52: {  	p1 =	sne.s32 s25, $0x72  }
.Ltmp3:
0x53: {  	_ = 	snop;
	(pc) =	sbr.rel @!p1 .LBB2_17-.Ltmp3, $2  }
0x54: {  	_ =	sdelay $0x2  }
0x55: {  	s28 =	sadd.s32 $0x27100, s28;
	s26 =	sadd.s32 $0x10, s26  }
.LBB2_6:
0x56: {  	s0 =	sshll.u32 s25, $0x4  }
0x57: {  	s15 =	sor.u32 s5, s0  }
0x58: {  	s0 =	smulhi.u32 $0x51EB851F, s15;
	_ =	sdelay $0x1  }
0x59: {  	s29 =	sshrl.u32 s0, $0x6  }
0x5a: {  	s0 =	smul.u32 $0xFFFFFF38, s29;
	_ =	sdelay $0x1  }
0x5b: {  	s0 =	sadd.s32 s15, s0  }
0x5c: {  	s0 =	smul.u32 $0x2710, s0;
	_ =	sdelay $0x1  }
0x5d: {  	p1 =	sle.s32 s24, s0  }
0x5e: {  	p2 =	sgt.u32 @!p1 s15, $0x707  }
0x5f: {  	s15 =	sadd.s32 $0x2710, s0;
	p1 =	por p1, p2  }
0x60: {  	p2 =	sge.s32 @!p1 s23, s15  }
0x61: {  	p1 =	por p1, p2  }
.Ltmp4:
0x62: {  	_ = 	snop;
	(pc) =	sbr.rel @p1 .LBB2_16-.Ltmp4, $1  }
0x63: {  	_ =	sdelay $0x3  }
0x64: {  	s29 =	smul.u32 $0x1E8480, s29;
	_ =	sdelay $0x1  }
0x65: {  	s29 =	sadd.s32 s29, s0  }
0x66: {  	s29 =	sshrl.u32 s29, $0x3  }
0x67: {  	p1 =	sgt.s32 s23, s0;
	s30 =	sadd.s32 s4, s29  }
0x68: {  	[tilespmem:s17], [sflag:$0x1] =	stream.linear.gather [hbm4b:s30+s3], $0x2710, $0x38;
	[tilespmem:$0x1DAD8] =	vst v63  }
0x69: {  	p2 =	sge.s32 @!p1 s24, s15;
	s29 =	sadd.s32 s1, s29  }
0x6a: {  	[tilespmem:s3], [sflag:$0x3] =	stream.linear.gather [hbm4b:s29+s3], $0x2710, $0x38;
	[tilespmem:$0x1DAD8] =	vst v63  }
0x6b: {  	p2 =	por p1, !p2;
	_ =	swait.ge [sflag:s18], $0x2710  }
.Ltmp5:
0x6c: {  	[sflag:s18] =	ssyncset.done $0x0;
	(pc) =	sbr.rel @!p2 .LBB2_15-.Ltmp5, $4  }
0x6d: {  	[sflag:s18] =	ssyncadd.s32 $0xFFFFD8F0  }
0x6e: {  	_ =	swait.ge [sflag:s19], $0x2710  }
0x6f: {  	[sflag:s19] =	ssyncset.done $0x0  }
0x70: {  	[sflag:s19] =	ssyncadd.s32 $0xFFFFD8F0  }
0x71: {  	s15 =	simm.s32 $0x0  }
0x72: {  	s0 =	smulhi.u32 $0x51EB851F, s26;
	s15 =	simm.s32 @p1 $0x0  }
0x73: {  	p2 =	sne.s32 s15, $0x9C00  }
.Ltmp6:
0x74: {  	s0 =	sshrl.u32 s0, $0x6;
	(pc) =	sbr.rel @!p2 .LBB2_9-.Ltmp6, $3  }
0x75: {  	s0 =	smul.u32 $0x1E8480, s0;
	_ =	sdelay $0x1  }
0x76: {  	s29 =	ssub.s32 s28, s0;
	s0 =	sshra.s32 s15, $0x2  }
0x77: {  	s15 =	sadd.s32 $0x40, s15;
	s29 =	smov.u32 @p1 s29;
	p1 =	por $0x0, $0x0  }
0x78: {  	v5 =	vld [tilespmem:s0+$0x2780]  }
0x79: {  	p2 =	sne.s32 s15, $0x9C00  }
.Ltmp7:
0x7a: {  	v6 =	vor.u32 s29, v1;
	(pc) =	sbr.rel @!p2 .LBB2_11-.Ltmp7, $4  }
0x7b: {  	vm0 =	vge.s32 v6, v3;
	vm1 =	vlt.s32 v6, v4  }
0x7c: {  	vm0 =	vmand vm0, vm1  }
0x7d: {  	s30 =	sshra.s32 s15, $0x2;
	v5 =	vnsel vm0, $0x0, v5  }
0x7e: {  	s15 =	sadd.s32 $0x40, s15;
	p1 =	por $0x1, $0x1;
	s31 =	smov.u32 s29;
	[tilespmem:s0+$0x2780] =	vst v5  }
.LBB2_12:
0x7f: {  	p2 =	sne.s32 s15, $0x9C00;
	v5 =	vld [tilespmem:s30+$0x2780]  }
0x80: {  	s31 =	sadd.s32 $0x10, s31  }
.Ltmp8:
0x81: {  	v6 =	vor.u32 s31, v1;
	(pc) =	sbr.rel @p2 .LBB2_12-.Ltmp8, $4  }
0x82: {  	vm0 =	vge.s32 v6, v3;
	vm1 =	vlt.s32 v6, v4  }
0x83: {  	vm0 =	vmand vm0, vm1  }
0x84: {  	v5 =	vnsel vm0, $0x0, v5  }
0x85: {  	[tilespmem:s30+$0x2780] =	vst v5;
	s30 =	sshra.s32 s15, $0x2;
	s15 =	sadd.s32 $0x40, s15  }
.Ltmp9:
0x86: {  	(pc) =	sbr.rel .LBB2_14-.Ltmp9, $2  }
0x87: {  	_ =	sdelay $0x2  }
0x88: {  	s0 =	smov.u32 s30  }
.LBB2_11:
.Ltmp10:
0x89: {  	(pc) =	sbr.rel .LBB2_14-.Ltmp10, $2  }
0x8a: {  	_ =	sdelay $0x2  }
0x8b: {  	s0 =	smov.u32 s30;
	s31 =	smov.u32 s29  }
.LBB2_17:
0x8c: {  	s0 =	sadd.s32 $0xFFFFFF50, s5  }
0x8d: {  	s15 =	sadd.s32 $0xB0, s0  }
0x8e: {  	p1 =	sgt.u32 s15, $0xA0  }
0x8f: {  	p2 =	sne.s32 @p1 s0, $0xFFFFFFF1  }
0x90: {  	p2 =	por p2, !p1  }
0x91: {  	[bflag:$0x0] =	sbarrier.arrive $0xFFFF;
	s0 =	simm.s32 @!p2 $0x2780;
	s15 =	simm.s32 @!p2 $0x3  }
0x92: {  	[tilespmem:s0], [sflag:$0x3] =	stream.linear.gather @!p2 [spmem:s8], $0x2440, $0x38;
	[tilespmem:$0x1DAD8] =	vst v63  }
0x93: {  	_ =	swait.ge @!p2 [sflag:s15], $0x2440  }
0x94: {  	[sflag:s15] =	ssyncset.done @!p2 $0x0  }
0x95: {  	s23 =	simm.s32 @!p2 $0x2;
	[sflag:s15] =	ssyncadd.s32 @!p2 $0xFFFFDBC0;
	s15 =	simm.s32 @!p2 $0x0  }
0x96: {  	[hbm4b:s9+s15] =	stream.linear.scatter @!p2 [tilespmem:s0], [sflag:$0x2], $0x2440, $0x38;
	[tilespmem:$0x1DAD8] =	vst v63  }
0x97: {  	s25 =	simm.s32 $0xFFFFFF70;
	p1 =	por p1, p1;
	_ =	swait.ge @!p2 [sflag:s23], $0x2440  }
0x98: {  	s24 =	smov.u32 s12;
	s26 =	simm.s32 @!p1 $0x3;
	[sflag:s23] =	ssyncset.done @!p2 $0x0  }
0x99: {  	s29 =	simm.s32 @!p1 $0x2780;
	s0 =	sadd.s32 $0xFFFFFF60, s5;
	[sflag:s23] =	ssyncadd.s32 @!p2 $0xFFFFDBC0  }
0x9a: {  	[tilespmem:s29], [sflag:$0x3] =	stream.linear.gather @!p1 [spmem:s12], $0x2710, $0x38;
	[tilespmem:$0x1DAD8] =	vst v63  }
0x9b: {  	s28 =	smov.u32 s13;
	s31 =	sadd.s32 $0xB0, s0;
	_ =	swait.ge @!p1 [sflag:s26], $0x2710  }
0x9c: {  	p2 =	sgt.u32 s31, $0xA0;
	s23 =	sadd.s32 $0x4E20, s13;
	[sflag:s26] =	ssyncset.done @!p1 $0x0  }
0x9d: {  	p4 =	sne.s32 @p2 s0, $0xFFFFFFF1;
	s0 =	simm.s32 @!p1 $0x0;
	[sflag:s26] =	ssyncadd.s32 @!p1 $0xFFFFD8F0  }
.LBB2_18:
0x9e: {  	p4 =	por p4, !p2  }
0x9f: {  	s24 =	sadd.s32 $0x27100, s24;
	s15 =	smov.u32 s25;
	s25 =	sadd.s32 $0x10, s25  }
0xa0: {  	[hbm4b:s28+s0] =	stream.linear.scatter @!p1 [tilespmem:s29], [sflag:$0x3], $0x2710, $0x38;
	[tilespmem:$0x1DAD8] =	vst v63  }
0xa1: {  	p3 =	sne.s32 s25, $0x0;
	s28 =	smov.u32 s23;
	_ =	swait.ge @!p1 [sflag:s26], $0x2710  }
0xa2: {  	[sflag:s26] =	ssyncset.done @!p1 $0x0  }
0xa3: {  	s0 =	simm.s32 @!p4 $0x2780;
	s29 =	simm.s32 @!p4 $0x3;
	[sflag:s26] =	ssyncadd.s32 @!p1 $0xFFFFD8F0  }
0xa4: {  	[tilespmem:s0], [sflag:$0x3] =	stream.linear.gather @!p4 [spmem:s8], $0x2440, $0x38;
	[tilespmem:$0x1DAD8] =	vst v63  }
0xa5: {  	p1 =	por p2, p2;
	_ =	swait.ge @!p4 [sflag:s29], $0x2440  }
0xa6: {  	[sflag:s29] =	ssyncset.done @!p4 $0x0  }
0xa7: {  	s26 =	simm.s32 @!p4 $0x0;
	[sflag:s29] =	ssyncadd.s32 @!p4 $0xFFFFDBC0;
	s29 =	simm.s32 @!p4 $0x2  }
0xa8: {  	[hbm4b:s9+s26] =	stream.linear.scatter @!p4 [tilespmem:s0], [sflag:$0x2], $0x2440, $0x38;
	[tilespmem:$0x1DAD8] =	vst v63  }
0xa9: {  	_ =	swait.ge @!p4 [sflag:s29], $0x2440  }
0xaa: {  	s26 =	simm.s32 @!p1 $0x3;
	s0 =	sadd.s32 s15, s5;
	[sflag:s29] =	ssyncset.done @!p4 $0x0  }
.Ltmp11:
0xab: {  	[sflag:s29] =	ssyncadd.s32 @!p4 $0xFFFFDBC0;
	s29 =	simm.s32 @!p1 $0x2780;
	(pc) =	sbr.rel @p3 .LBB2_18-.Ltmp11, $4  }
0xac: {  	[tilespmem:s29], [sflag:$0x3] =	stream.linear.gather @!p1 [spmem:s24], $0x2710, $0x38;
	[tilespmem:$0x1DAD8] =	vst v63  }
0xad: {  	s15 =	sadd.s32 $0xB0, s0;
	_ =	swait.ge @!p1 [sflag:s26], $0x2710  }
0xae: {  	s23 =	sadd.s32 $0x4E20, s23;
	p2 =	sgt.u32 s15, $0xA0;
	[sflag:s26] =	ssyncset.done @!p1 $0x0  }
0xaf: {  	p4 =	sne.s32 @p2 s0, $0xFFFFFFF1;
	s0 =	simm.s32 @!p1 $0x0;
	[sflag:s26] =	ssyncadd.s32 @!p1 $0xFFFFD8F0  }
0xb0: {  	[hbm4b:s28+s0] =	stream.linear.scatter @!p1 [tilespmem:s29], [sflag:$0x3], $0x2710, $0x38;
	[tilespmem:$0x1DAD8] =	vst v63  }
0xb1: {  	_ =	swait.ge @!p1 [sflag:s26], $0x2710  }
0xb2: {  	p3 =	por p4, !p2;
	[sflag:s26] =	ssyncset.done @!p1 $0x0  }
0xb3: {  	s0 =	simm.s32 @!p3 $0x2780;
	s15 =	simm.s32 @!p3 $0x3;
	[sflag:s26] =	ssyncadd.s32 @!p1 $0xFFFFD8F0  }
0xb4: {  	[tilespmem:s0], [sflag:$0x3] =	stream.linear.gather @!p3 [spmem:s8], $0x2440, $0x38;
	[tilespmem:$0x1DAD8] =	vst v63  }
0xb5: {  	_ =	swait.ge @!p3 [sflag:s15], $0x2440  }
0xb6: {  	[sflag:s15] =	ssyncset.done @!p3 $0x0  }
0xb7: {  	s25 =	simm.s32 @!p3 $0x2;
	[sflag:s15] =	ssyncadd.s32 @!p3 $0xFFFFDBC0;
	s15 =	simm.s32 @!p3 $0x0  }
0xb8: {  	[hbm4b:s9+s15] =	stream.linear.scatter @!p3 [tilespmem:s0], [sflag:$0x2], $0x2440, $0x38;
	[tilespmem:$0x1DAD8] =	vst v63  }
0xb9: {  	_ =	swait.ge @!p3 [sflag:s25], $0x2440  }
0xba: {  	p1 =	por p2, p2;
	s0 =	sadd.s32 $0x27100, s24;
	[sflag:s25] =	ssyncset.done @!p3 $0x0  }
0xbb: {  	s15 =	simm.s32 @!p1 $0x3;
	s24 =	simm.s32 @!p1 $0x2780;
	[sflag:s25] =	ssyncadd.s32 @!p3 $0xFFFFDBC0  }
0xbc: {  	[tilespmem:s24], [sflag:$0x3] =	stream.linear.gather @!p1 [spmem:s0], $0x2710, $0x38;
	[tilespmem:$0x1DAD8] =	vst v63  }
0xbd: {  	_ =	swait.ge @!p1 [sflag:s15], $0x2710  }
0xbe: {  	[sflag:s15] =	ssyncset.done @!p1 $0x0  }
0xbf: {  	s0 =	simm.s32 @!p1 $0x0;
	[sflag:s15] =	ssyncadd.s32 @!p1 $0xFFFFD8F0  }
0xc0: {  	[hbm4b:s23+s0] =	stream.linear.scatter @!p1 [tilespmem:s24], [sflag:$0x3], $0x2710, $0x38;
	[tilespmem:$0x1DAD8] =	vst v63  }
0xc1: {  	_ =	swait.ge @!p1 [sflag:s15], $0x2710  }
0xc2: {  	[sflag:s15] =	ssyncset.done @!p1 $0x0  }
0xc3: {  	[sflag:s15] =	ssyncadd.s32 @!p1 $0xFFFFD8F0  }
0xc4: {  	s0 =	simm.s32 $0x0;
	[bflag:$0x0] =	sbarrier.arrive $0xFFFF  }
.LBB2_20:
0xc5: {  	p1 =	sne.s32 s0, $0x9C00  }
.Ltmp12:
0xc6: {  	_ = 	snop;
	(pc) =	sbr.rel @p1 .LBB2_20-.Ltmp12, $3  }
0xc7: {  	_ =	sdelay $0x1  }
0xc8: {  	s15 =	sshra.s32 s0, $0x2  }
0xc9: {  	s0 =	sadd.s32 $0x40, s0;
	[tilespmem:s15+$0x2780] =	vst v0  }
0xca: {  	s0 =	sadd.s32 $0xFFFFFF50, s5  }
0xcb: {  	s15 =	sadd.s32 $0xB0, s0  }
0xcc: {  	p1 =	sgt.u32 s15, $0xA0  }
0xcd: {  	p2 =	sne.s32 @p1 s0, $0xFFFFFFF1;
	p1 =	por p1, p1  }
0xce: {  	p2 =	por p2, !p1  }
0xcf: {  	s0 =	simm.s32 @!p2 $0x2780;
	s15 =	simm.s32 @!p2 $0x2  }
0xd0: {  	[spmem:s8] =	stream.linear.scatter @!p2 [tilespmem:s0], [sflag:$0x2], $0x2440, $0x38;
	[tilespmem:$0x1DAD8] =	vst v63  }
0xd1: {  	_ =	swait.ge @!p2 [sflag:s15], $0x2440  }
0xd2: {  	s25 =	simm.s32 @!p1 $0x3;
	[sflag:s15] =	ssyncset.done @!p2 $0x0  }
0xd3: {  	s0 =	sadd.s32 $0xFFFFFF60, s5;
	[sflag:s15] =	ssyncadd.s32 @!p2 $0xFFFFDBC0;
	s15 =	simm.s32 @!p1 $0x2780  }
0xd4: {  	[spmem:s12] =	stream.linear.scatter @!p1 [tilespmem:s15], [sflag:$0x3], $0x2710, $0x38;
	[tilespmem:$0x1DAD8] =	vst v63  }
0xd5: {  	s24 =	simm.s32 $0xFFFFFF70;
	s31 =	sadd.s32 $0xB0, s0;
	_ =	swait.ge @!p1 [sflag:s25], $0x2710  }
0xd6: {  	s23 =	sadd.s32 $0x27100, s12;
	p3 =	sgt.u32 s31, $0xA0;
	[sflag:s25] =	ssyncset.done @!p1 $0x0  }
.LBB2_22:
0xd7: {  	p4 =	sne.s32 @p3 s0, $0xFFFFFFF1;
	[sflag:s25] =	ssyncadd.s32 @!p1 $0xFFFFD8F0  }
0xd8: {  	s0 =	smov.u32 s24;
	s24 =	sadd.s32 $0x10, s24;
	p1 =	por p3, p3  }
0xd9: {  	p2 =	sne.s32 s24, $0x0;
	p3 =	por p4, !p1  }
0xda: {  	s15 =	simm.s32 @!p3 $0x2780;
	s26 =	simm.s32 @!p3 $0x2  }
0xdb: {  	[spmem:s8] =	stream.linear.scatter @!p3 [tilespmem:s15], [sflag:$0x2], $0x2440, $0x38;
	[tilespmem:$0x1DAD8] =	vst v63  }
0xdc: {  	_ =	swait.ge @!p3 [sflag:s26], $0x2440  }
.Ltmp13:
0xdd: {  	s25 =	simm.s32 @!p1 $0x3;
	[sflag:s26] =	ssyncset.done @!p3 $0x0;
	(pc) =	sbr.rel @p2 .LBB2_22-.Ltmp13, $4  }
0xde: {  	s0 =	sadd.s32 s0, s5;
	s15 =	simm.s32 @!p1 $0x2780;
	[sflag:s26] =	ssyncadd.s32 @!p3 $0xFFFFDBC0  }
0xdf: {  	[spmem:s23] =	stream.linear.scatter @!p1 [tilespmem:s15], [sflag:$0x3], $0x2710, $0x38;
	[tilespmem:$0x1DAD8] =	vst v63  }
0xe0: {  	s15 =	sadd.s32 $0xB0, s0;
	_ =	swait.ge @!p1 [sflag:s25], $0x2710  }
0xe1: {  	s23 =	sadd.s32 $0x27100, s23;
	p3 =	sgt.u32 s15, $0xA0;
	[sflag:s25] =	ssyncset.done @!p1 $0x0  }
0xe2: {  	p4 =	sne.s32 @p3 s0, $0xFFFFFFF1;
	p2 =	por p3, p3  }
0xe3: {  	p3 =	por p4, !p2  }
0xe4: {  	[sflag:s25] =	ssyncadd.s32 @!p1 $0xFFFFD8F0;
	s0 =	simm.s32 @!p3 $0x2780;
	s15 =	simm.s32 @!p3 $0x2  }
0xe5: {  	[spmem:s8] =	stream.linear.scatter @!p3 [tilespmem:s0], [sflag:$0x2], $0x2440, $0x38;
	[tilespmem:$0x1DAD8] =	vst v63  }
0xe6: {  	_ =	swait.ge @!p3 [sflag:s15], $0x2440  }
0xe7: {  	[sflag:s15] =	ssyncset.done @!p3 $0x0  }
0xe8: {  	s0 =	simm.s32 @!p2 $0x3;
	[sflag:s15] =	ssyncadd.s32 @!p3 $0xFFFFDBC0;
	s15 =	simm.s32 @!p2 $0x2780  }
0xe9: {  	[spmem:s23] =	stream.linear.scatter @!p2 [tilespmem:s15], [sflag:$0x3], $0x2710, $0x38;
	[tilespmem:$0x1DAD8] =	vst v63  }
0xea: {  	_ =	swait.ge @!p2 [sflag:s0], $0x2710  }
0xeb: {  	(v2sf) =	vpush v2, $0x3  }
0xec: {  	(v2sf) =	vpush v2, $0x4;
	_ =	sdelay $0xc  }
.Ltmp14:
0xed: {  	_ = 	snop;
	(pc) =	sbr.rel .LBB2_24-.Ltmp14, $4  }
0xee: {  	[sflag:s0] =	ssyncset.done @!p2 $0x0;
	s23 =	spop (v2sf)  }
0xef: {  	[sflag:s0] =	ssyncadd.s32 @!p2 $0xFFFFD8F0;
	s24 =	spop (v2sf)  }
0xf0: {  	s24 =	smov.u32 @p0 s23;
	s23 =	smov.u32 @p0 s22;
	[bflag:$0x0] =	sbarrier.arrive $0xFFFF  }
0xf1: {  	s25 =	stileid.u32;
	s26 =	smov.u32 s7;
	s22 =	simm.s32 $0x0;
	v2 =	vmov s23;
	v3 =	vmov s24  }
.LBB2_27:
0xf2: {  	s30 =	smov.u32 s28  }
.LBB2_32:
0xf3: {  	v4 =	vld [tilespmem:s29+$0x2780];
	s0 =	sadd.s32 @p1 $0x10, s30  }
0xf4: {  	s28 =	smov.u32 @p1 s0  }
0xf5: {  	v5 =	vor.u32 s28, v1  }
0xf6: {  	vm0 =	vge.s32 v5, v2;
	vm1 =	vlt.s32 v5, v3  }
0xf7: {  	vm0 =	vmand vm0, vm1  }
0xf8: {  	v4 =	vnsel vm0, $0x0, v4  }
0xf9: {  	[tilespmem:s29+$0x2780] =	vst v4  }
.LBB2_33:
0xfa: {  	[spmem:s2] =	stream.indirect.scatter.add.f32 [tilespmem:s17], [sflag:$0x2], $0x1, s3, s20, $0xb8;
	[tilespmem:$0x1DAD8] =	vst v63  }
0xfb: {  	_ =	swait.ge [sflag:s16], $0x2710  }
0xfc: {  	[sflag:s16] =	ssyncset.done $0x0  }
0xfd: {  	[sflag:s16] =	ssyncadd.s32 $0xFFFFD8F0  }
.LBB2_34:
0xfe: {  	s22 =	sadd.s32 $0x1, s22  }
0xff: {  	p1 =	sne.s32 s22, $0x72  }
.Ltmp15:
0x100: {  	_ = 	snop;
	(pc) =	sbr.rel @!p1 .LBB2_35-.Ltmp15, $2  }
0x101: {  	_ =	sdelay $0x2  }
0x102: {  	s26 =	sadd.s32 $0x27100, s26;
	s25 =	sadd.s32 $0x10, s25  }
.LBB2_24:
0x103: {  	s0 =	sshll.u32 s22, $0x4  }
0x104: {  	s15 =	sor.u32 s5, s0  }
0x105: {  	s0 =	smulhi.u32 $0x51EB851F, s15;
	_ =	sdelay $0x1  }
0x106: {  	s28 =	sshrl.u32 s0, $0x6  }
0x107: {  	s0 =	smul.u32 $0xFFFFFF38, s28;
	_ =	sdelay $0x1  }
0x108: {  	s0 =	sadd.s32 s15, s0  }
0x109: {  	s0 =	smul.u32 $0x2710, s0;
	_ =	sdelay $0x1  }
0x10a: {  	p1 =	sle.s32 s24, s0  }
0x10b: {  	p2 =	sgt.u32 @!p1 s15, $0x707  }
0x10c: {  	s15 =	sadd.s32 $0x2710, s0;
	p1 =	por p1, p2  }
0x10d: {  	p2 =	sge.s32 @!p1 s23, s15  }
0x10e: {  	p1 =	por p1, p2  }
.Ltmp16:
0x10f: {  	_ = 	snop;
	(pc) =	sbr.rel @p1 .LBB2_34-.Ltmp16, $1  }
0x110: {  	_ =	sdelay $0x3  }
0x111: {  	s28 =	smul.u32 $0x1E8480, s28;
	_ =	sdelay $0x1  }
0x112: {  	s28 =	sadd.s32 s28, s0  }
0x113: {  	s28 =	sshrl.u32 s28, $0x3  }
0x114: {  	p1 =	sgt.s32 s23, s0;
	s29 =	sadd.s32 s4, s28  }
0x115: {  	[tilespmem:s17], [sflag:$0x1] =	stream.linear.gather [hbm4b:s29+s3], $0x2710, $0x38;
	[tilespmem:$0x1DAD8] =	vst v63  }
0x116: {  	p2 =	sge.s32 @!p1 s24, s15;
	s28 =	sadd.s32 s1, s28  }
0x117: {  	[tilespmem:s3], [sflag:$0x3] =	stream.linear.gather [hbm4b:s28+s3], $0x2710, $0x38;
	[tilespmem:$0x1DAD8] =	vst v63  }
0x118: {  	p2 =	por p1, !p2;
	_ =	swait.ge [sflag:s18], $0x2710  }
.Ltmp17:
0x119: {  	[sflag:s18] =	ssyncset.done $0x0;
	(pc) =	sbr.rel @!p2 .LBB2_33-.Ltmp17, $4  }
0x11a: {  	[sflag:s18] =	ssyncadd.s32 $0xFFFFD8F0  }
0x11b: {  	_ =	swait.ge [sflag:s19], $0x2710  }
0x11c: {  	[sflag:s19] =	ssyncset.done $0x0  }
0x11d: {  	[sflag:s19] =	ssyncadd.s32 $0xFFFFD8F0  }
0x11e: {  	s15 =	simm.s32 $0x0  }
0x11f: {  	s0 =	smulhi.u32 $0x51EB851F, s25;
	s15 =	simm.s32 @p1 $0x0  }
0x120: {  	p2 =	sne.s32 s15, $0x9C00  }
.Ltmp18:
0x121: {  	s0 =	sshrl.u32 s0, $0x6;
	(pc) =	sbr.rel @!p2 .LBB2_27-.Ltmp18, $3  }
0x122: {  	s0 =	smul.u32 $0x1E8480, s0;
	_ =	sdelay $0x1  }
0x123: {  	s29 =	sshra.s32 s15, $0x2;
	s28 =	ssub.s32 s26, s0  }
0x124: {  	s15 =	sadd.s32 $0x40, s15;
	s28 =	smov.u32 @p1 s28;
	p1 =	por $0x0, $0x0  }
0x125: {  	v4 =	vld [tilespmem:s29+$0x2780]  }
0x126: {  	p2 =	sne.s32 s15, $0x9C00  }
.Ltmp19:
0x127: {  	v5 =	vor.u32 s28, v1;
	(pc) =	sbr.rel @!p2 .LBB2_29-.Ltmp19, $4  }
0x128: {  	vm0 =	vge.s32 v5, v2;
	vm1 =	vlt.s32 v5, v3  }
0x129: {  	vm0 =	vmand vm0, vm1  }
0x12a: {  	s0 =	sshra.s32 s15, $0x2;
	v4 =	vnsel vm0, $0x0, v4  }
0x12b: {  	s15 =	sadd.s32 $0x40, s15;
	p1 =	por $0x1, $0x1;
	s30 =	smov.u32 s28;
	[tilespmem:s29+$0x2780] =	vst v4  }
.LBB2_30:
0x12c: {  	p2 =	sne.s32 s15, $0x9C00;
	v4 =	vld [tilespmem:s0+$0x2780]  }
0x12d: {  	s30 =	sadd.s32 $0x10, s30  }
.Ltmp20:
0x12e: {  	v5 =	vor.u32 s30, v1;
	(pc) =	sbr.rel @p2 .LBB2_30-.Ltmp20, $4  }
0x12f: {  	vm0 =	vge.s32 v5, v2;
	vm1 =	vlt.s32 v5, v3  }
0x130: {  	vm0 =	vmand vm0, vm1  }
0x131: {  	v4 =	vnsel vm0, $0x0, v4  }
0x132: {  	[tilespmem:s0+$0x2780] =	vst v4;
	s0 =	sshra.s32 s15, $0x2;
	s15 =	sadd.s32 $0x40, s15  }
.Ltmp21:
0x133: {  	(pc) =	sbr.rel .LBB2_32-.Ltmp21, $2  }
0x134: {  	_ =	sdelay $0x2  }
0x135: {  	s29 =	smov.u32 s0  }
.LBB2_29:
.Ltmp22:
0x136: {  	(pc) =	sbr.rel .LBB2_32-.Ltmp22, $2  }
0x137: {  	_ =	sdelay $0x2  }
0x138: {  	s29 =	smov.u32 s0;
	s30 =	smov.u32 s28  }
.LBB2_35:
0x139: {  	s0 =	sadd.s32 $0xFFFFFF50, s5  }
0x13a: {  	s15 =	sadd.s32 $0xB0, s0  }
0x13b: {  	p1 =	sgt.u32 s15, $0xA0  }
0x13c: {  	p2 =	sne.s32 @p1 s0, $0xFFFFFFF1  }
0x13d: {  	p2 =	por p2, !p1  }
0x13e: {  	[bflag:$0x0] =	sbarrier.arrive $0xFFFF;
	s0 =	simm.s32 @!p2 $0x2780;
	s15 =	simm.s32 @!p2 $0x3  }
0x13f: {  	[tilespmem:s0], [sflag:$0x3] =	stream.linear.gather @!p2 [spmem:s8], $0x2440, $0x38;
	[tilespmem:$0x1DAD8] =	vst v63  }
0x140: {  	_ =	swait.ge @!p2 [sflag:s15], $0x2440  }
0x141: {  	[sflag:s15] =	ssyncset.done @!p2 $0x0  }
0x142: {  	s22 =	simm.s32 @!p2 $0x2;
	[sflag:s15] =	ssyncadd.s32 @!p2 $0xFFFFDBC0;
	s15 =	simm.s32 @!p2 $0x0  }
0x143: {  	[hbm4b:s10+s15] =	stream.linear.scatter @!p2 [tilespmem:s0], [sflag:$0x2], $0x2440, $0x38;
	[tilespmem:$0x1DAD8] =	vst v63  }
0x144: {  	s24 =	simm.s32 $0xFFFFFF70;
	p1 =	por p1, p1;
	_ =	swait.ge @!p2 [sflag:s22], $0x2440  }
0x145: {  	s23 =	smov.u32 s12;
	s25 =	simm.s32 @!p1 $0x3;
	[sflag:s22] =	ssyncset.done @!p2 $0x0  }
0x146: {  	s28 =	simm.s32 @!p1 $0x2780;
	s0 =	sadd.s32 $0xFFFFFF60, s5;
	[sflag:s22] =	ssyncadd.s32 @!p2 $0xFFFFDBC0  }
0x147: {  	[tilespmem:s28], [sflag:$0x3] =	stream.linear.gather @!p1 [spmem:s12], $0x2710, $0x38;
	[tilespmem:$0x1DAD8] =	vst v63  }
0x148: {  	s26 =	smov.u32 s14;
	s31 =	sadd.s32 $0xB0, s0;
	_ =	swait.ge @!p1 [sflag:s25], $0x2710  }
0x149: {  	p2 =	sgt.u32 s31, $0xA0;
	s22 =	sadd.s32 $0x4E20, s14;
	[sflag:s25] =	ssyncset.done @!p1 $0x0  }
0x14a: {  	p4 =	sne.s32 @p2 s0, $0xFFFFFFF1;
	s0 =	simm.s32 @!p1 $0x0;
	[sflag:s25] =	ssyncadd.s32 @!p1 $0xFFFFD8F0  }
.LBB2_36:
0x14b: {  	p4 =	por p4, !p2  }
0x14c: {  	s23 =	sadd.s32 $0x27100, s23;
	s15 =	smov.u32 s24;
	s24 =	sadd.s32 $0x10, s24  }
0x14d: {  	[hbm4b:s26+s0] =	stream.linear.scatter @!p1 [tilespmem:s28], [sflag:$0x3], $0x2710, $0x38;
	[tilespmem:$0x1DAD8] =	vst v63  }
0x14e: {  	p3 =	sne.s32 s24, $0x0;
	s26 =	smov.u32 s22;
	_ =	swait.ge @!p1 [sflag:s25], $0x2710  }
0x14f: {  	[sflag:s25] =	ssyncset.done @!p1 $0x0  }
0x150: {  	s0 =	simm.s32 @!p4 $0x2780;
	s28 =	simm.s32 @!p4 $0x3;
	[sflag:s25] =	ssyncadd.s32 @!p1 $0xFFFFD8F0  }
0x151: {  	[tilespmem:s0], [sflag:$0x3] =	stream.linear.gather @!p4 [spmem:s8], $0x2440, $0x38;
	[tilespmem:$0x1DAD8] =	vst v63  }
0x152: {  	p1 =	por p2, p2;
	_ =	swait.ge @!p4 [sflag:s28], $0x2440  }
0x153: {  	[sflag:s28] =	ssyncset.done @!p4 $0x0  }
0x154: {  	s25 =	simm.s32 @!p4 $0x0;
	[sflag:s28] =	ssyncadd.s32 @!p4 $0xFFFFDBC0;
	s28 =	simm.s32 @!p4 $0x2  }
0x155: {  	[hbm4b:s10+s25] =	stream.linear.scatter @!p4 [tilespmem:s0], [sflag:$0x2], $0x2440, $0x38;
	[tilespmem:$0x1DAD8] =	vst v63  }
0x156: {  	_ =	swait.ge @!p4 [sflag:s28], $0x2440  }
0x157: {  	s25 =	simm.s32 @!p1 $0x3;
	s0 =	sadd.s32 s15, s5;
	[sflag:s28] =	ssyncset.done @!p4 $0x0  }
.Ltmp23:
0x158: {  	[sflag:s28] =	ssyncadd.s32 @!p4 $0xFFFFDBC0;
	s28 =	simm.s32 @!p1 $0x2780;
	(pc) =	sbr.rel @p3 .LBB2_36-.Ltmp23, $4  }
0x159: {  	[tilespmem:s28], [sflag:$0x3] =	stream.linear.gather @!p1 [spmem:s23], $0x2710, $0x38;
	[tilespmem:$0x1DAD8] =	vst v63  }
0x15a: {  	s15 =	sadd.s32 $0xB0, s0;
	_ =	swait.ge @!p1 [sflag:s25], $0x2710  }
0x15b: {  	s22 =	sadd.s32 $0x4E20, s22;
	p2 =	sgt.u32 s15, $0xA0;
	[sflag:s25] =	ssyncset.done @!p1 $0x0  }
0x15c: {  	p4 =	sne.s32 @p2 s0, $0xFFFFFFF1;
	s0 =	simm.s32 @!p1 $0x0;
	[sflag:s25] =	ssyncadd.s32 @!p1 $0xFFFFD8F0  }
0x15d: {  	[hbm4b:s26+s0] =	stream.linear.scatter @!p1 [tilespmem:s28], [sflag:$0x3], $0x2710, $0x38;
	[tilespmem:$0x1DAD8] =	vst v63  }
0x15e: {  	_ =	swait.ge @!p1 [sflag:s25], $0x2710  }
0x15f: {  	p3 =	por p4, !p2;
	[sflag:s25] =	ssyncset.done @!p1 $0x0  }
0x160: {  	s0 =	simm.s32 @!p3 $0x2780;
	s15 =	simm.s32 @!p3 $0x3;
	[sflag:s25] =	ssyncadd.s32 @!p1 $0xFFFFD8F0  }
0x161: {  	[tilespmem:s0], [sflag:$0x3] =	stream.linear.gather @!p3 [spmem:s8], $0x2440, $0x38;
	[tilespmem:$0x1DAD8] =	vst v63  }
0x162: {  	_ =	swait.ge @!p3 [sflag:s15], $0x2440  }
0x163: {  	[sflag:s15] =	ssyncset.done @!p3 $0x0  }
0x164: {  	s24 =	simm.s32 @!p3 $0x2;
	[sflag:s15] =	ssyncadd.s32 @!p3 $0xFFFFDBC0;
	s15 =	simm.s32 @!p3 $0x0  }
0x165: {  	[hbm4b:s10+s15] =	stream.linear.scatter @!p3 [tilespmem:s0], [sflag:$0x2], $0x2440, $0x38;
	[tilespmem:$0x1DAD8] =	vst v63  }
0x166: {  	_ =	swait.ge @!p3 [sflag:s24], $0x2440  }
0x167: {  	p1 =	por p2, p2;
	s0 =	sadd.s32 $0x27100, s23;
	[sflag:s24] =	ssyncset.done @!p3 $0x0  }
0x168: {  	s15 =	simm.s32 @!p1 $0x3;
	s23 =	simm.s32 @!p1 $0x2780;
	[sflag:s24] =	ssyncadd.s32 @!p3 $0xFFFFDBC0  }
0x169: {  	[tilespmem:s23], [sflag:$0x3] =	stream.linear.gather @!p1 [spmem:s0], $0x2710, $0x38;
	[tilespmem:$0x1DAD8] =	vst v63  }
0x16a: {  	_ =	swait.ge @!p1 [sflag:s15], $0x2710  }
0x16b: {  	[sflag:s15] =	ssyncset.done @!p1 $0x0  }
0x16c: {  	s0 =	simm.s32 @!p1 $0x0;
	[sflag:s15] =	ssyncadd.s32 @!p1 $0xFFFFD8F0  }
0x16d: {  	[hbm4b:s22+s0] =	stream.linear.scatter @!p1 [tilespmem:s23], [sflag:$0x3], $0x2710, $0x38;
	[tilespmem:$0x1DAD8] =	vst v63  }
0x16e: {  	_ =	swait.ge @!p1 [sflag:s15], $0x2710  }
0x16f: {  	s21 =	sadd.s32 $0x1, s21;
	[sflag:s15] =	ssyncset.done @!p1 $0x0  }
0x170: {  	[sflag:s15] =	ssyncadd.s32 @!p1 $0xFFFFD8F0;
	p1 =	sne.s32 s21, s11  }
.Ltmp24:
0x171: {  	_ = 	snop;
	(pc) =	sbr.rel @p1 .LBB2_1-.Ltmp24, $2  }
0x172: {  	_ =	sdelay $0x1  }
0x173: {  	[bflag:$0x0] =	sbarrier.arrive $0xFFFF;
	_ =	sdelay $0x1  }
0x174: {  	_ =	sfence.sel $0x180000  }
0x175: {  	[bflag:$0x0] =	sbarrier.arrive $0xFFFF  }
0x176: {  	_ =	strace $0x90000047  }
0x177: {  	[bflag:$0x2] =	sbarrier.arrive $0xFFFF  }
0x178: {  	p0 =	sne.s32 s5, $0x0;
	s0 =	rddreg [dreg:$0x3]  }
0x179: {  	s0 =	sadd.s32 @!p0 $0x100000, s0  }
0x17a: {  	[sflag:s0] =	ssyncadd.tile.s32 @!p0 $0x1;
	_ =	shalt  }
.Lfunc_end2:
_tile_overlayer_lowered:
.L_overlay_start_2:
0x17b: {  	(tag) =	ssettag $0x2  }
0x17c: {  	s0 =	rddreg [dreg:$0x0];
	s2 =	stileid.u32  }
0x17d: {  	s1 =	rddreg [dreg:$0x1];
	p0 =	sne.s32 s2, $0x0  }
0x17e: {  	s3 =	rddreg [dreg:$0x2];
	[bflag:$0x3] =	sbarrier.arrive $0xFFFF;
	s2 =	simm.s32 @!p0 $0x1C02  }
0x17f: {  	[timem:s3], [sflag:s2] =	dma.local @!p0 [hbm:s0], s1  }
0x180: {  	s0 =	simm.s32 @!p0 $0x2  }
0x181: {  	_ =	swait.ge @!p0 [sflag:s0], s1  }
0x182: {  	s1 =	ssub.s32 @!p0 $0x0, s1;
	[sflag:s0] =	ssyncset.done @!p0 $0x0  }
0x183: {  	[sflag:s0] =	ssyncadd.s32 @!p0 s1  }
0x184: {  	[bflag:$0x3] =	sbarrier.arrive $0xFFFF  }
0x185: {  	_ =	shalt  }

</sc_bundles>
